<compile_context>
chip_gen: v7x
topology: tpu7x:2x2x1
jax: 0.10.2.dev20260603
libtpu: 0.0.44.dev20260713+nightly
codegen_flags: <defaults>
</compile_context>

<pallas_src>
import jax
import jax.numpy as jnp
from jax import lax
from jax.experimental import pallas as pl
from jax.experimental.pallas import tpu as pltpu
from jax.experimental.pallas import tpu_sc as plsc

B, H, W = 4, 384, 384
N = B * H * W
NLAB = 32
BINS = 48
NCHUNK = 32
CH = N // NCHUNK
NV = CH // 16
UNROLL = 8
ROWP = 256
BH_B = 96


def _sc_kernel(lab_hbm, dy_hbm, dx_hbm, dm_hbm,
               lab_v, dy_v, dx_v, dm_v, acc, acc_b, mdy_v, mdx_v, comb_v,
               shared, sem):
    c = lax.axis_index("c")
    s = lax.axis_index("s")
    img_in_core = s // 8
    chunk = s % 8
    base = (c * 2 + img_in_core) * (H * W) + chunk * CH

    cp1 = pltpu.async_copy(lab_hbm.at[pl.ds(base, CH)], lab_v, sem)
    cp2 = pltpu.async_copy(dy_hbm.at[pl.ds(base, CH)], dy_v, sem)
    cp3 = pltpu.async_copy(dx_hbm.at[pl.ds(base, CH)], dx_v, sem)
    cp1.wait()
    cp2.wait()
    cp3.wait()

    zeros16 = jnp.zeros((16,), jnp.float32)
    for j in range(3 * BINS // 16):
        acc[pl.ds(j * 16, 16)] = zeros16
        acc_b[pl.ds(j * 16, 16)] = zeros16

    ones16 = jnp.ones((16,), jnp.float32)

    def scat_body(i, carry):
        off = i * (UNROLL * 16)
        for j in range(UNROLL):
            sl = pl.ds(off + j * 16, 16)
            idx = lab_v[sl]
            tgt = acc if j % 2 == 0 else acc_b
            plsc.addupdate_scatter(tgt, [idx], ones16)
            plsc.addupdate_scatter(tgt, [idx + BINS], dy_v[sl])
            plsc.addupdate_scatter(tgt, [idx + 2 * BINS], dx_v[sl])
        return carry

    lax.fori_loop(0, NV // UNROLL, scat_body, 0)
    for j in range(3 * BINS // 16):
        sl = pl.ds(j * 16, 16)
        acc[sl] = acc[sl] + acc_b[sl]

    pltpu.sync_copy(acc, shared.at[s])
    plsc.subcore_barrier()
    pltpu.sync_copy(shared.at[pl.ds(img_in_core * 8, 8)], comb_v)

    lane = lax.iota(jnp.int32, 16)
    for j in range(BINS // 16):
        sl = pl.ds(j * 16, 16)
        sly = pl.ds(BINS + j * 16, 16)
        slx = pl.ds(2 * BINS + j * 16, 16)
        cnt = comb_v[0, sl]
        sdy = comb_v[0, sly]
        sdx = comb_v[0, slx]
        for k in range(1, 8):
            cnt = cnt + comb_v[k, sl]
            sdy = sdy + comb_v[k, sly]
            sdx = sdx + comb_v[k, slx]
        inv = 1.0 / jnp.maximum(cnt, 1.0)
        mdy = sdy * inv
        mdx = sdx * inv
        if j == 0:
            mdy = jnp.where(lane == 0, 0.0, mdy)
            mdx = jnp.where(lane == 0, 0.0, mdx)
        mdy_v[sl] = mdy
        mdx_v[sl] = mdx

    GUN = 16

    def gath_body(i, carry):
        off = i * (GUN * 16)
        for j in range(GUN):
            sl = pl.ds(off + j * 16, 16)
            idx = lab_v[sl]
            gdy = plsc.load_gather(mdy_v, [idx])
            gdx = plsc.load_gather(mdx_v, [idx])
            d1 = gdy - dy_v[sl]
            d2 = gdx - dx_v[sl]
            dm_v[sl] = d1 * d1 + d2 * d2
        return carry

    lax.fori_loop(0, NV // GUN, gath_body, 0)

    pltpu.sync_copy(dm_v, dm_hbm.at[pl.ds(base, CH)])


_sc_call = pl.kernel(
    _sc_kernel,
    out_type=jax.ShapeDtypeStruct((N,), jnp.float32),
    mesh=plsc.VectorSubcoreMesh(core_axis_name="c", subcore_axis_name="s"),
    scratch_types=[
        pltpu.VMEM((CH,), jnp.int32),
        pltpu.VMEM((CH,), jnp.float32),
        pltpu.VMEM((CH,), jnp.float32),
        pltpu.VMEM((CH,), jnp.float32),
        pltpu.VMEM((ROWP,), jnp.float32),
        pltpu.VMEM((ROWP,), jnp.float32),
        pltpu.VMEM((BINS,), jnp.float32),
        pltpu.VMEM((BINS,), jnp.float32),
        pltpu.VMEM((8, ROWP), jnp.float32),
        pltpu.VMEM_SHARED((16, ROWP), jnp.float32),
        pltpu.SemaphoreType.DMA,
    ],
    compiler_params=pltpu.CompilerParams(needs_layout_passes=False),
)


def _dense_kernel(edm_t_ref, edm_p_ref, c0_ref, c1_ref, c2_ref, c3_ref,
                  cat_t_ref, out_ref):
    edm_l = jnp.square(edm_t_ref[0] - edm_p_ref[0])

    ct = cat_t_ref[0]
    c0 = c0_ref[0]
    c1 = c1_ref[0]
    c2 = c2_ref[0]
    c3 = c3_ref[0]
    ssum = c0 + c1 + c2 + c3
    pt = jnp.where(ct == 1, c1, c0)
    pt = jnp.where(ct == 2, c2, pt)
    pt = jnp.where(ct == 3, c3, pt)
    p = jnp.clip(pt / ssum, 1e-7, 1.0 - 1e-7)
    w = jnp.where(ct >= 2, 5.0, 1.0)
    cat_l = -jnp.log(p) * w

    out_ref[0] = edm_l * (1.0 / 3.0) + cat_l * (1.0 / 3.0)


def _combine_kernel(partial_ref, dm_ref, out_ref):
    out_ref[0] = partial_ref[0] + dm_ref[0] * (1.0 / 6.0)


@jax.jit
def kernel(edm_true, edm_pred, dy_pred, dx_pred, cat_pred, cat_true, labels):
    edm_t = edm_true.reshape(B, H, W)
    edm_p = edm_pred.reshape(B, H, W)
    ct = cat_true.reshape(B, H, W)
    cats = [cat_pred[..., c] for c in range(4)]

    dm = _sc_call(labels.reshape(N), dy_pred.reshape(N), dx_pred.reshape(N))
    dm = dm.reshape(B, H, W)

    nt = H // BH_B
    partial = pl.pallas_call(
        _dense_kernel,
        grid=(B, nt),
        in_specs=[pl.BlockSpec((1, BH_B, W), lambda b, t: (b, t, 0))
                  for _ in range(7)],
        out_specs=pl.BlockSpec((1, BH_B, W), lambda b, t: (b, t, 0)),
        out_shape=jax.ShapeDtypeStruct((B, H, W), jnp.float32),
        compiler_params=pltpu.CompilerParams(
            allow_input_fusion=[True] * 7),
    )(edm_t, edm_p, *cats, ct)

    loss = pl.pallas_call(
        _combine_kernel,
        grid=(B,),
        in_specs=[
            pl.BlockSpec((1, H, W), lambda b: (b, 0, 0)),
            pl.BlockSpec((1, H, W), lambda b: (b, 0, 0)),
        ],
        out_specs=pl.BlockSpec((1, H, W), lambda b: (b, 0, 0)),
        out_shape=jax.ShapeDtypeStruct((B, H, W), jnp.float32),
        compiler_params=pltpu.CompilerParams(
            allow_input_fusion=[True, True]),
    )(partial, dm)
    return loss

# --- scband reference (transcript-rebuilt; emitter-appended) ---
"""Pipeline reference for scband-distnet-model-70188355551355 (READ-ONLY COPY).

The authoritative reference and input builder live on the scoring server;
editing this copy changes nothing except your own understanding.
"""

import jax, jax.numpy as jnp
import numpy as np

B, H, W, L_MAX = 4, 384, 384, 33

def setup_inputs(seed: int = 0) -> dict:
    key = jax.random.key(seed)
    ks = jax.random.split(key, 7)
    return {
        "edm_true": jax.random.normal(ks[0], (B, H, W, 1), dtype=jnp.float32),
        "edm_pred": jax.random.normal(ks[1], (B, H, W, 1), dtype=jnp.float32),
        "dy_pred": jax.random.normal(ks[2], (B, H, W, 1), dtype=jnp.float32),
        "dx_pred": jax.random.normal(ks[3], (B, H, W, 1), dtype=jnp.float32),
        "cat_pred": jax.random.uniform(ks[4], (B, H, W, 4), dtype=jnp.float32, minval=1e-3, maxval=1.0),
        "cat_true": jax.random.randint(ks[5], (B, H, W, 1), 0, 4, dtype=jnp.int32),
        "labels": jax.random.randint(ks[6], (B, H, W, 1), 0, L_MAX, dtype=jnp.int32),
    }

def _mse(y_true, y_pred):
    # keras mean_squared_error: mean over last axis
    return jnp.mean(jnp.square(y_true - y_pred), axis=-1)

def _weighted_scce(y_true, y_pred, weights):
    # keras sparse_categorical_crossentropy (from_logits=False): normalize, clip, -log p[true]
    p = y_pred / jnp.sum(y_pred, axis=-1, keepdims=True)
    p = jnp.clip(p, 1e-7, 1.0 - 1e-7)
    yt = y_true[..., 0].astype(jnp.int32)
    ce = -jnp.take_along_axis(jnp.log(p), yt[..., None], axis=-1)[..., 0]
    w = jnp.asarray(weights, dtype=jnp.float32)[yt]
    return ce * w

def _mean_by_object(data, label_rank, label_size):
    # data: [B,H,W,C]; label_rank: [B,H,W,1,L]; label_size: [B,1,1,1,L]
    mean = jnp.sum(label_rank * data[..., None], axis=(1, 2), keepdims=True) / label_size
    mean = jnp.sum(mean * label_rank, axis=-1)  # [B,H,W,C]
    return mean

def reference(edm_true, edm_pred, dy_pred, dx_pred, cat_pred, cat_true, labels):
    # loss weights: contours=False, next=False, std_weight=0
    # sum = edm(1) + displacement(1) + category(1) + std(0) = 3
    edm_weight = 1.0 / 3.0
    displacement_weight = (1.0 / 3.0) / 2.0  # train_step halves it
    category_weight = 1.0 / 3.0

    # _get_label_rank_and_size
    L = L_MAX - 1
    label_rank = jax.nn.one_hot(labels - 1, L, dtype=jnp.float32)  # [B,H,W,1,L]; label 0 -> zero row
    label_size = jnp.sum(label_rank, axis=(1, 2), keepdims=True)   # [B,1,1,1,L]
    label_size = jnp.where(label_size == 0, 1.0, label_size)

    edm_loss = _mse(edm_true, edm_pred)  # [B,H,W]
    loss = edm_loss * edm_weight

    dym_pred = _mean_by_object(dy_pred, label_rank, label_size)
    dxm_pred = _mean_by_object(dx_pred, label_rank, label_size)
    dm_loss = _mse(dym_pred, dy_pred) + _mse(dxm_pred, dx_pred)  # [B,H,W]
    loss = loss + dm_loss * displacement_weight

    cat_loss = _weighted_scce(cat_true, cat_pred, [1.0, 1.0, 5.0, 5.0])  # [B,H,W]
    loss = loss + cat_loss * category_weight

    return loss

if __name__ == "__main__":
    import jax
    _d = setup_inputs()
    print(jax.jit(kernel)(*tuple(_d.values())))

</pallas_src>

<mosaic_0001>
#map = affine_map<(d0, d1) -> (0)>
module attributes {stable_mosaic.version = 14 : i64} {
  func.func @_sc_kernel(%arg0: i32, %arg1: i32, %arg2: memref<589824xi32, #tpu.memory_space<hbm>>, %arg3: memref<589824xf32, #tpu.memory_space<hbm>>, %arg4: memref<589824xf32, #tpu.memory_space<hbm>>, %arg5: memref<589824xf32, #tpu.memory_space<hbm>>, %arg6: memref<18432xi32, #tpu.memory_space<vmem>>, %arg7: memref<18432xf32, #tpu.memory_space<vmem>>, %arg8: memref<18432xf32, #tpu.memory_space<vmem>>, %arg9: memref<18432xf32, #tpu.memory_space<vmem>>, %arg10: memref<256xf32, #tpu.memory_space<vmem>>, %arg11: memref<256xf32, #tpu.memory_space<vmem>>, %arg12: memref<48xf32, #tpu.memory_space<vmem>>, %arg13: memref<48xf32, #tpu.memory_space<vmem>>, %arg14: memref<8x256xf32, #tpu.memory_space<vmem>>, %arg15: memref<16x256xf32, #tpu.memory_space<vmem_shared>>, %arg16: memref<!tpu.dma_semaphore, #tpu.memory_space<semaphore_mem>>) attributes {dimension_semantics = [#tpu.dimension_semantics<core_parallel>, #tpu.dimension_semantics<subcore_parallel>], iteration_bounds = array<i64: 2, 16>, scalar_prefetch = 0 : i64, scratch_operands = 11 : i64, tpu.core_type = #tpu.core_type<sc_vector_subcore>, window_params = [{transform_indices = #map}, {transform_indices = #map}, {transform_indices = #map}, {transform_indices = #map}]} {
    %jit3A = arith.constant 8 : i32
    %div3A = arith.divsi %arg1, %jit3A : i32
    %sign3A = arith.constant 0 : i32
    %sign3A_0 = arith.cmpi sgt, %arg1, %sign3A : i32
    %sign3A_1 = arith.extui %sign3A_0 : i1 to i32
    %sign3A_2 = arith.constant 0 : i32
    %sign3A_3 = arith.cmpi slt, %arg1, %sign3A_2 : i32
    %sign3A_4 = arith.extui %sign3A_3 : i1 to i32
    %sign3A_5 = arith.subi %sign3A_1, %sign3A_4 : i32
    %sign3A_6 = arith.constant 0 : i32
    %sign3A_7 = arith.cmpi sgt, %jit3A, %sign3A_6 : i32
    %sign3A_8 = arith.extui %sign3A_7 : i1 to i32
    %sign3A_9 = arith.constant 0 : i32
    %sign3A_10 = arith.cmpi slt, %jit3A, %sign3A_9 : i32
    %sign3A_11 = arith.extui %sign3A_10 : i1 to i32
    %sign3A_12 = arith.subi %sign3A_8, %sign3A_11 : i32
    %ne3A = arith.cmpi ne, %sign3A_5, %sign3A_12 : i32
    %rem3A = arith.remsi %arg1, %jit3A : i32
    %ne3A_13 = arith.constant 0 : i32
    %ne3A_14 = arith.cmpi ne, %rem3A, %ne3A_13 : i32
    %and3A = arith.andi %ne3A, %ne3A_14 : i1
    %sub3A = arith.constant 1 : i32
    %sub3A_15 = arith.subi %div3A, %sub3A : i32
    %select_n3A = arith.select %and3A, %sub3A_15, %div3A : i32
    %jit3A_16 = arith.constant 8 : i32
    %eq3A = arith.constant 0 : i32
    %eq3A_17 = arith.cmpi eq, %jit3A_16, %eq3A : i32
    %jit3A_18 = arith.constant 1 : i32
    %select_n3A_19 = arith.select %eq3A_17, %jit3A_18, %jit3A_16 : i32
    %rem3A_20 = arith.remsi %arg1, %select_n3A_19 : i32
    %ne3A_21 = arith.constant 0 : i32
    %ne3A_22 = arith.cmpi ne, %rem3A_20, %ne3A_21 : i32
    %lt3A = arith.constant 0 : i32
    %lt3A_23 = arith.cmpi slt, %rem3A_20, %lt3A : i32
    %lt3A_24 = arith.constant 0 : i32
    %lt3A_25 = arith.cmpi slt, %select_n3A_19, %lt3A_24 : i32
    %ne3A_26 = arith.xori %lt3A_23, %lt3A_25 : i1
    %and3A_27 = arith.andi %ne3A_26, %ne3A_22 : i1
    %add3A = arith.addi %rem3A_20, %select_n3A_19 : i32
    %select_n3A_28 = arith.select %and3A_27, %add3A, %rem3A_20 : i32
    %mul3A = arith.constant 2 : i32
    %mul3A_29 = arith.muli %arg0, %mul3A : i32
    %add3A_30 = arith.addi %mul3A_29, %select_n3A : i32
    %mul3A_31 = arith.constant 147456 : i32
    %mul3A_32 = arith.muli %add3A_30, %mul3A_31 : i32
    %mul3A_33 = arith.constant 18432 : i32
    %mul3A_34 = arith.muli %select_n3A_28, %mul3A_33 : i32
    %add3A_35 = arith.addi %mul3A_32, %mul3A_34 : i32
    %dma_start3A = tpu.memref_slice %arg2[%add3A_35] : memref<589824xi32, #tpu.memory_space<hbm>> -> memref<18432xi32, #tpu.memory_space<hbm>>
    %dma_start3A_36 = tpu.memref_slice %arg2[%add3A_35] : memref<589824xi32, #tpu.memory_space<hbm>> -> memref<18432xi32, #tpu.memory_space<hbm>>
    tpu.enqueue_dma source(%dma_start3A_36 : memref<18432xi32, #tpu.memory_space<hbm>>) target(%arg6 : memref<18432xi32, #tpu.memory_space<vmem>>) target_semaphore(%arg16 : memref<!tpu.dma_semaphore, #tpu.memory_space<semaphore_mem>>)
    %dma_start3A_37 = tpu.memref_slice %arg3[%add3A_35] : memref<589824xf32, #tpu.memory_space<hbm>> -> memref<18432xf32, #tpu.memory_space<hbm>>
    %dma_start3A_38 = tpu.memref_slice %arg3[%add3A_35] : memref<589824xf32, #tpu.memory_space<hbm>> -> memref<18432xf32, #tpu.memory_space<hbm>>
    tpu.enqueue_dma source(%dma_start3A_38 : memref<18432xf32, #tpu.memory_space<hbm>>) target(%arg7 : memref<18432xf32, #tpu.memory_space<vmem>>) target_semaphore(%arg16 : memref<!tpu.dma_semaphore, #tpu.memory_space<semaphore_mem>>)
    %dma_start3A_39 = tpu.memref_slice %arg4[%add3A_35] : memref<589824xf32, #tpu.memory_space<hbm>> -> memref<18432xf32, #tpu.memory_space<hbm>>
    %dma_start3A_40 = tpu.memref_slice %arg4[%add3A_35] : memref<589824xf32, #tpu.memory_space<hbm>> -> memref<18432xf32, #tpu.memory_space<hbm>>
    tpu.enqueue_dma source(%dma_start3A_40 : memref<18432xf32, #tpu.memory_space<hbm>>) target(%arg8 : memref<18432xf32, #tpu.memory_space<vmem>>) target_semaphore(%arg16 : memref<!tpu.dma_semaphore, #tpu.memory_space<semaphore_mem>>)
    %dma_wait3A = tpu.memref_slice %arg2[%add3A_35] : memref<589824xi32, #tpu.memory_space<hbm>> -> memref<18432xi32, #tpu.memory_space<hbm>>
    %dma_wait3A_41 = tpu.memref_slice %arg2[%add3A_35] : memref<589824xi32, #tpu.memory_space<hbm>> -> memref<18432xi32, #tpu.memory_space<hbm>>
    tpu.wait_dma2 semaphore(%arg16 : memref<!tpu.dma_semaphore, #tpu.memory_space<semaphore_mem>>) src(%dma_wait3A_41 : memref<18432xi32, #tpu.memory_space<hbm>>) dst(%arg6 : memref<18432xi32, #tpu.memory_space<vmem>>)
    %dma_wait3A_42 = tpu.memref_slice %arg3[%add3A_35] : memref<589824xf32, #tpu.memory_space<hbm>> -> memref<18432xf32, #tpu.memory_space<hbm>>
    %dma_wait3A_43 = tpu.memref_slice %arg3[%add3A_35] : memref<589824xf32, #tpu.memory_space<hbm>> -> memref<18432xf32, #tpu.memory_space<hbm>>
    tpu.wait_dma2 semaphore(%arg16 : memref<!tpu.dma_semaphore, #tpu.memory_space<semaphore_mem>>) src(%dma_wait3A_43 : memref<18432xf32, #tpu.memory_space<hbm>>) dst(%arg7 : memref<18432xf32, #tpu.memory_space<vmem>>)
    %dma_wait3A_44 = tpu.memref_slice %arg4[%add3A_35] : memref<589824xf32, #tpu.memory_space<hbm>> -> memref<18432xf32, #tpu.memory_space<hbm>>
    %dma_wait3A_45 = tpu.memref_slice %arg4[%add3A_35] : memref<589824xf32, #tpu.memory_space<hbm>> -> memref<18432xf32, #tpu.memory_space<hbm>>
    tpu.wait_dma2 semaphore(%arg16 : memref<!tpu.dma_semaphore, #tpu.memory_space<semaphore_mem>>) src(%dma_wait3A_45 : memref<18432xf32, #tpu.memory_space<hbm>>) dst(%arg8 : memref<18432xf32, #tpu.memory_space<vmem>>)
    %broadcast_in_dim3A = arith.constant 0.000000e+00 : f32
    %broadcast_in_dim3A_46 = vector.broadcast %broadcast_in_dim3A : f32 to vector<16xf32>
    %swap3A = arith.constant 0 : index
    %swap3A_47 = tpu.vector_load %arg10[%swap3A] {strides = array<i32>} : memref<256xf32, #tpu.memory_space<vmem>>, vector<16xf32>,
    tpu.vector_store %arg10[%swap3A], %broadcast_in_dim3A_46 {strides = array<i32>} : memref<256xf32, #tpu.memory_space<vmem>>, vector<16xf32>,
    %swap3A_48 = arith.constant 0 : index
    %swap3A_49 = tpu.vector_load %arg11[%swap3A_48] {strides = array<i32>} : memref<256xf32, #tpu.memory_space<vmem>>, vector<16xf32>,
    tpu.vector_store %arg11[%swap3A_48], %broadcast_in_dim3A_46 {strides = array<i32>} : memref<256xf32, #tpu.memory_space<vmem>>, vector<16xf32>,
    %swap3A_50 = arith.constant 16 : index
    %swap3A_51 = tpu.vector_load %arg10[%swap3A_50] {strides = array<i32>} : memref<256xf32, #tpu.memory_space<vmem>>, vector<16xf32>,
    tpu.vector_store %arg10[%swap3A_50], %broadcast_in_dim3A_46 {strides = array<i32>} : memref<256xf32, #tpu.memory_space<vmem>>, vector<16xf32>,
    %swap3A_52 = arith.constant 16 : index
    %swap3A_53 = tpu.vector_load %arg11[%swap3A_52] {strides = array<i32>} : memref<256xf32, #tpu.memory_space<vmem>>, vector<16xf32>,
    tpu.vector_store %arg11[%swap3A_52], %broadcast_in_dim3A_46 {strides = array<i32>} : memref<256xf32, #tpu.memory_space<vmem>>, vector<16xf32>,
    %swap3A_54 = arith.constant 32 : index
    %swap3A_55 = tpu.vector_load %arg10[%swap3A_54] {strides = array<i32>} : memref<256xf32, #tpu.memory_space<vmem>>, vector<16xf32>,
    tpu.vector_store %arg10[%swap3A_54], %broadcast_in_dim3A_46 {strides = array<i32>} : memref<256xf32, #tpu.memory_space<vmem>>, vector<16xf32>,
    %swap3A_56 = arith.constant 32 : index
    %swap3A_57 = tpu.vector_load %arg11[%swap3A_56] {strides = array<i32>} : memref<256xf32, #tpu.memory_space<vmem>>, vector<16xf32>,
    tpu.vector_store %arg11[%swap3A_56], %broadcast_in_dim3A_46 {strides = array<i32>} : memref<256xf32, #tpu.memory_space<vmem>>, vector<16xf32>,
    %swap3A_58 = arith.constant 48 : index
    %swap3A_59 = tpu.vector_load %arg10[%swap3A_58] {strides = array<i32>} : memref<256xf32, #tpu.memory_space<vmem>>, vector<16xf32>,
    tpu.vector_store %arg10[%swap3A_58], %broadcast_in_dim3A_46 {strides = array<i32>} : memref<256xf32, #tpu.memory_space<vmem>>, vector<16xf32>,
    %swap3A_60 = arith.constant 48 : index
    %swap3A_61 = tpu.vector_load %arg11[%swap3A_60] {strides = array<i32>} : memref<256xf32, #tpu.memory_space<vmem>>, vector<16xf32>,
    tpu.vector_store %arg11[%swap3A_60], %broadcast_in_dim3A_46 {strides = array<i32>} : memref<256xf32, #tpu.memory_space<vmem>>, vector<16xf32>,
    %swap3A_62 = arith.constant 64 : index
    %swap3A_63 = tpu.vector_load %arg10[%swap3A_62] {strides = array<i32>} : memref<256xf32, #tpu.memory_space<vmem>>, vector<16xf32>,
    tpu.vector_store %arg10[%swap3A_62], %broadcast_in_dim3A_46 {strides = array<i32>} : memref<256xf32, #tpu.memory_space<vmem>>, vector<16xf32>,
    %swap3A_64 = arith.constant 64 : index
    %swap3A_65 = tpu.vector_load %arg11[%swap3A_64] {strides = array<i32>} : memref<256xf32, #tpu.memory_space<vmem>>, vector<16xf32>,
    tpu.vector_store %arg11[%swap3A_64], %broadcast_in_dim3A_46 {strides = array<i32>} : memref<256xf32, #tpu.memory_space<vmem>>, vector<16xf32>,
    %swap3A_66 = arith.constant 80 : index
    %swap3A_67 = tpu.vector_load %arg10[%swap3A_66] {strides = array<i32>} : memref<256xf32, #tpu.memory_space<vmem>>, vector<16xf32>,
    tpu.vector_store %arg10[%swap3A_66], %broadcast_in_dim3A_46 {strides = array<i32>} : memref<256xf32, #tpu.memory_space<vmem>>, vector<16xf32>,
    %swap3A_68 = arith.constant 80 : index
    %swap3A_69 = tpu.vector_load %arg11[%swap3A_68] {strides = array<i32>} : memref<256xf32, #tpu.memory_space<vmem>>, vector<16xf32>,
    tpu.vector_store %arg11[%swap3A_68], %broadcast_in_dim3A_46 {strides = array<i32>} : memref<256xf32, #tpu.memory_space<vmem>>, vector<16xf32>,
    %swap3A_70 = arith.constant 96 : index
    %swap3A_71 = tpu.vector_load %arg10[%swap3A_70] {strides = array<i32>} : memref<256xf32, #tpu.memory_space<vmem>>, vector<16xf32>,
    tpu.vector_store %arg10[%swap3A_70], %broadcast_in_dim3A_46 {strides = array<i32>} : memref<256xf32, #tpu.memory_space<vmem>>, vector<16xf32>,
    %swap3A_72 = arith.constant 96 : index
    %swap3A_73 = tpu.vector_load %arg11[%swap3A_72] {strides = array<i32>} : memref<256xf32, #tpu.memory_space<vmem>>, vector<16xf32>,
    tpu.vector_store %arg11[%swap3A_72], %broadcast_in_dim3A_46 {strides = array<i32>} : memref<256xf32, #tpu.memory_space<vmem>>, vector<16xf32>,
    %swap3A_74 = arith.constant 112 : index
    %swap3A_75 = tpu.vector_load %arg10[%swap3A_74] {strides = array<i32>} : memref<256xf32, #tpu.memory_space<vmem>>, vector<16xf32>,
    tpu.vector_store %arg10[%swap3A_74], %broadcast_in_dim3A_46 {strides = array<i32>} : memref<256xf32, #tpu.memory_space<vmem>>, vector<16xf32>,
    %swap3A_76 = arith.constant 112 : index
    %swap3A_77 = tpu.vector_load %arg11[%swap3A_76] {strides = array<i32>} : memref<256xf32, #tpu.memory_space<vmem>>, vector<16xf32>,
    tpu.vector_store %arg11[%swap3A_76], %broadcast_in_dim3A_46 {strides = array<i32>} : memref<256xf32, #tpu.memory_space<vmem>>, vector<16xf32>,
    %swap3A_78 = arith.constant 128 : index
    %swap3A_79 = tpu.vector_load %arg10[%swap3A_78] {strides = array<i32>} : memref<256xf32, #tpu.memory_space<vmem>>, vector<16xf32>,
    tpu.vector_store %arg10[%swap3A_78], %broadcast_in_dim3A_46 {strides = array<i32>} : memref<256xf32, #tpu.memory_space<vmem>>, vector<16xf32>,
    %swap3A_80 = arith.constant 128 : index
    %swap3A_81 = tpu.vector_load %arg11[%swap3A_80] {strides = array<i32>} : memref<256xf32, #tpu.memory_space<vmem>>, vector<16xf32>,
    tpu.vector_store %arg11[%swap3A_80], %broadcast_in_dim3A_46 {strides = array<i32>} : memref<256xf32, #tpu.memory_space<vmem>>, vector<16xf32>,
    %broadcast_in_dim3A_82 = arith.constant 1.000000e+00 : f32
    %broadcast_in_dim3A_83 = vector.broadcast %broadcast_in_dim3A_82 : f32 to vector<16xf32>
    %scan3A = arith.constant 0 : i32
    %scan3A_84 = arith.constant 0 : i32
    %scan3A_85 = arith.constant 144 : i32
    %scan3A_86 = arith.addi %scan3A_84, %scan3A_85 : i32
    %scan3A_87 = arith.constant 1 : i32
    scf.for %scan3A_557 = %scan3A_84 to %scan3A_86 step %scan3A_87  : i32 {
      %mul3A_558 = arith.constant 128 : i32
      %mul3A_559 = arith.muli %scan3A_557, %mul3A_558 : i32
      %add3A_560 = arith.constant 0 : i32
      %add3A_561 = arith.addi %mul3A_559, %add3A_560 : i32
      %get3A_562 = arith.index_cast %add3A_561 : i32 to index
      %get3A_563 = tpu.vector_load %arg6[%get3A_562] {strides = array<i32>} : memref<18432xi32, #tpu.memory_space<vmem>>, vector<16xi32>,
      tpu.vector_store_idx %arg10[%get3A_563], %broadcast_in_dim3A_83 {add = true} : memref<256xf32, #tpu.memory_space<vmem>>[vector<16xi32>], vector<16xf32>,
      %add3A_564 = arith.constant 48 : i32
      %add3A_565 = vector.broadcast %add3A_564 : i32 to vector<16xi32>
      %add3A_566 = arith.addi %get3A_563, %add3A_565 : vector<16xi32>
      %get3A_567 = arith.index_cast %add3A_561 : i32 to index
      %get3A_568 = tpu.vector_load %arg7[%get3A_567] {strides = array<i32>} : memref<18432xf32, #tpu.memory_space<vmem>>, vector<16xf32>,
      tpu.vector_store_idx %arg10[%add3A_566], %get3A_568 {add = true} : memref<256xf32, #tpu.memory_space<vmem>>[vector<16xi32>], vector<16xf32>,
      %add3A_569 = arith.constant 96 : i32
      %add3A_570 = vector.broadcast %add3A_569 : i32 to vector<16xi32>
      %add3A_571 = arith.addi %get3A_563, %add3A_570 : vector<16xi32>
      %get3A_572 = arith.index_cast %add3A_561 : i32 to index
      %get3A_573 = tpu.vector_load %arg8[%get3A_572] {strides = array<i32>} : memref<18432xf32, #tpu.memory_space<vmem>>, vector<16xf32>,
      tpu.vector_store_idx %arg10[%add3A_571], %get3A_573 {add = true} : memref<256xf32, #tpu.memory_space<vmem>>[vector<16xi32>], vector<16xf32>,
      %add3A_574 = arith.constant 16 : i32
      %add3A_575 = arith.addi %mul3A_559, %add3A_574 : i32
      %get3A_576 = arith.index_cast %add3A_575 : i32 to index
      %get3A_577 = tpu.vector_load %arg6[%get3A_576] {strides = array<i32>} : memref<18432xi32, #tpu.memory_space<vmem>>, vector<16xi32>,
      tpu.vector_store_idx %arg11[%get3A_577], %broadcast_in_dim3A_83 {add = true} : memref<256xf32, #tpu.memory_space<vmem>>[vector<16xi32>], vector<16xf32>,
      %add3A_578 = arith.constant 48 : i32
      %add3A_579 = vector.broadcast %add3A_578 : i32 to vector<16xi32>
      %add3A_580 = arith.addi %get3A_577, %add3A_579 : vector<16xi32>
      %get3A_581 = arith.index_cast %add3A_575 : i32 to index
      %get3A_582 = tpu.vector_load %arg7[%get3A_581] {strides = array<i32>} : memref<18432xf32, #tpu.memory_space<vmem>>, vector<16xf32>,
      tpu.vector_store_idx %arg11[%add3A_580], %get3A_582 {add = true} : memref<256xf32, #tpu.memory_space<vmem>>[vector<16xi32>], vector<16xf32>,
      %add3A_583 = arith.constant 96 : i32
      %add3A_584 = vector.broadcast %add3A_583 : i32 to vector<16xi32>
      %add3A_585 = arith.addi %get3A_577, %add3A_584 : vector<16xi32>
      %get3A_586 = arith.index_cast %add3A_575 : i32 to index
      %get3A_587 = tpu.vector_load %arg8[%get3A_586] {strides = array<i32>} : memref<18432xf32, #tpu.memory_space<vmem>>, vector<16xf32>,
      tpu.vector_store_idx %arg11[%add3A_585], %get3A_587 {add = true} : memref<256xf32, #tpu.memory_space<vmem>>[vector<16xi32>], vector<16xf32>,
      %add3A_588 = arith.constant 32 : i32
      %add3A_589 = arith.addi %mul3A_559, %add3A_588 : i32
      %get3A_590 = arith.index_cast %add3A_589 : i32 to index
      %get3A_591 = tpu.vector_load %arg6[%get3A_590] {strides = array<i32>} : memref<18432xi32, #tpu.memory_space<vmem>>, vector<16xi32>,
      tpu.vector_store_idx %arg10[%get3A_591], %broadcast_in_dim3A_83 {add = true} : memref<256xf32, #tpu.memory_space<vmem>>[vector<16xi32>], vector<16xf32>,
      %add3A_592 = arith.constant 48 : i32
      %add3A_593 = vector.broadcast %add3A_592 : i32 to vector<16xi32>
      %add3A_594 = arith.addi %get3A_591, %add3A_593 : vector<16xi32>
      %get3A_595 = arith.index_cast %add3A_589 : i32 to index
      %get3A_596 = tpu.vector_load %arg7[%get3A_595] {strides = array<i32>} : memref<18432xf32, #tpu.memory_space<vmem>>, vector<16xf32>,
      tpu.vector_store_idx %arg10[%add3A_594], %get3A_596 {add = true} : memref<256xf32, #tpu.memory_space<vmem>>[vector<16xi32>], vector<16xf32>,
      %add3A_597 = arith.constant 96 : i32
      %add3A_598 = vector.broadcast %add3A_597 : i32 to vector<16xi32>
      %add3A_599 = arith.addi %get3A_591, %add3A_598 : vector<16xi32>
      %get3A_600 = arith.index_cast %add3A_589 : i32 to index
      %get3A_601 = tpu.vector_load %arg8[%get3A_600] {strides = array<i32>} : memref<18432xf32, #tpu.memory_space<vmem>>, vector<16xf32>,
      tpu.vector_store_idx %arg10[%add3A_599], %get3A_601 {add = true} : memref<256xf32, #tpu.memory_space<vmem>>[vector<16xi32>], vector<16xf32>,
      %add3A_602 = arith.constant 48 : i32
      %add3A_603 = arith.addi %mul3A_559, %add3A_602 : i32
      %get3A_604 = arith.index_cast %add3A_603 : i32 to index
      %get3A_605 = tpu.vector_load %arg6[%get3A_604] {strides = array<i32>} : memref<18432xi32, #tpu.memory_space<vmem>>, vector<16xi32>,
      tpu.vector_store_idx %arg11[%get3A_605], %broadcast_in_dim3A_83 {add = true} : memref<256xf32, #tpu.memory_space<vmem>>[vector<16xi32>], vector<16xf32>,
      %add3A_606 = arith.constant 48 : i32
      %add3A_607 = vector.broadcast %add3A_606 : i32 to vector<16xi32>
      %add3A_608 = arith.addi %get3A_605, %add3A_607 : vector<16xi32>
      %get3A_609 = arith.index_cast %add3A_603 : i32 to index
      %get3A_610 = tpu.vector_load %arg7[%get3A_609] {strides = array<i32>} : memref<18432xf32, #tpu.memory_space<vmem>>, vector<16xf32>,
      tpu.vector_store_idx %arg11[%add3A_608], %get3A_610 {add = true} : memref<256xf32, #tpu.memory_space<vmem>>[vector<16xi32>], vector<16xf32>,
      %add3A_611 = arith.constant 96 : i32
      %add3A_612 = vector.broadcast %add3A_611 : i32 to vector<16xi32>
      %add3A_613 = arith.addi %get3A_605, %add3A_612 : vector<16xi32>
      %get3A_614 = arith.index_cast %add3A_603 : i32 to index
      %get3A_615 = tpu.vector_load %arg8[%get3A_614] {strides = array<i32>} : memref<18432xf32, #tpu.memory_space<vmem>>, vector<16xf32>,
      tpu.vector_store_idx %arg11[%add3A_613], %get3A_615 {add = true} : memref<256xf32, #tpu.memory_space<vmem>>[vector<16xi32>], vector<16xf32>,
      %add3A_616 = arith.constant 64 : i32
      %add3A_617 = arith.addi %mul3A_559, %add3A_616 : i32
      %get3A_618 = arith.index_cast %add3A_617 : i32 to index
      %get3A_619 = tpu.vector_load %arg6[%get3A_618] {strides = array<i32>} : memref<18432xi32, #tpu.memory_space<vmem>>, vector<16xi32>,
      tpu.vector_store_idx %arg10[%get3A_619], %broadcast_in_dim3A_83 {add = true} : memref<256xf32, #tpu.memory_space<vmem>>[vector<16xi32>], vector<16xf32>,
      %add3A_620 = arith.constant 48 : i32
      %add3A_621 = vector.broadcast %add3A_620 : i32 to vector<16xi32>
      %add3A_622 = arith.addi %get3A_619, %add3A_621 : vector<16xi32>
      %get3A_623 = arith.index_cast %add3A_617 : i32 to index
      %get3A_624 = tpu.vector_load %arg7[%get3A_623] {strides = array<i32>} : memref<18432xf32, #tpu.memory_space<vmem>>, vector<16xf32>,
      tpu.vector_store_idx %arg10[%add3A_622], %get3A_624 {add = true} : memref<256xf32, #tpu.memory_space<vmem>>[vector<16xi32>], vector<16xf32>,
      %add3A_625 = arith.constant 96 : i32
      %add3A_626 = vector.broadcast %add3A_625 : i32 to vector<16xi32>
      %add3A_627 = arith.addi %get3A_619, %add3A_626 : vector<16xi32>
      %get3A_628 = arith.index_cast %add3A_617 : i32 to index
      %get3A_629 = tpu.vector_load %arg8[%get3A_628] {strides = array<i32>} : memref<18432xf32, #tpu.memory_space<vmem>>, vector<16xf32>,
      tpu.vector_store_idx %arg10[%add3A_627], %get3A_629 {add = true} : memref<256xf32, #tpu.memory_space<vmem>>[vector<16xi32>], vector<16xf32>,
      %add3A_630 = arith.constant 80 : i32
      %add3A_631 = arith.addi %mul3A_559, %add3A_630 : i32
      %get3A_632 = arith.index_cast %add3A_631 : i32 to index
      %get3A_633 = tpu.vector_load %arg6[%get3A_632] {strides = array<i32>} : memref<18432xi32, #tpu.memory_space<vmem>>, vector<16xi32>,
      tpu.vector_store_idx %arg11[%get3A_633], %broadcast_in_dim3A_83 {add = true} : memref<256xf32, #tpu.memory_space<vmem>>[vector<16xi32>], vector<16xf32>,
      %add3A_634 = arith.constant 48 : i32
      %add3A_635 = vector.broadcast %add3A_634 : i32 to vector<16xi32>
      %add3A_636 = arith.addi %get3A_633, %add3A_635 : vector<16xi32>
      %get3A_637 = arith.index_cast %add3A_631 : i32 to index
      %get3A_638 = tpu.vector_load %arg7[%get3A_637] {strides = array<i32>} : memref<18432xf32, #tpu.memory_space<vmem>>, vector<16xf32>,
      tpu.vector_store_idx %arg11[%add3A_636], %get3A_638 {add = true} : memref<256xf32, #tpu.memory_space<vmem>>[vector<16xi32>], vector<16xf32>,
      %add3A_639 = arith.constant 96 : i32
      %add3A_640 = vector.broadcast %add3A_639 : i32 to vector<16xi32>
      %add3A_641 = arith.addi %get3A_633, %add3A_640 : vector<16xi32>
      %get3A_642 = arith.index_cast %add3A_631 : i32 to index
      %get3A_643 = tpu.vector_load %arg8[%get3A_642] {strides = array<i32>} : memref<18432xf32, #tpu.memory_space<vmem>>, vector<16xf32>,
      tpu.vector_store_idx %arg11[%add3A_641], %get3A_643 {add = true} : memref<256xf32, #tpu.memory_space<vmem>>[vector<16xi32>], vector<16xf32>,
      %add3A_644 = arith.constant 96 : i32
      %add3A_645 = arith.addi %mul3A_559, %add3A_644 : i32
      %get3A_646 = arith.index_cast %add3A_645 : i32 to index
      %get3A_647 = tpu.vector_load %arg6[%get3A_646] {strides = array<i32>} : memref<18432xi32, #tpu.memory_space<vmem>>, vector<16xi32>,
      tpu.vector_store_idx %arg10[%get3A_647], %broadcast_in_dim3A_83 {add = true} : memref<256xf32, #tpu.memory_space<vmem>>[vector<16xi32>], vector<16xf32>,
      %add3A_648 = arith.constant 48 : i32
      %add3A_649 = vector.broadcast %add3A_648 : i32 to vector<16xi32>
      %add3A_650 = arith.addi %get3A_647, %add3A_649 : vector<16xi32>
      %get3A_651 = arith.index_cast %add3A_645 : i32 to index
      %get3A_652 = tpu.vector_load %arg7[%get3A_651] {strides = array<i32>} : memref<18432xf32, #tpu.memory_space<vmem>>, vector<16xf32>,
      tpu.vector_store_idx %arg10[%add3A_650], %get3A_652 {add = true} : memref<256xf32, #tpu.memory_space<vmem>>[vector<16xi32>], vector<16xf32>,
      %add3A_653 = arith.constant 96 : i32
      %add3A_654 = vector.broadcast %add3A_653 : i32 to vector<16xi32>
      %add3A_655 = arith.addi %get3A_647, %add3A_654 : vector<16xi32>
      %get3A_656 = arith.index_cast %add3A_645 : i32 to index
      %get3A_657 = tpu.vector_load %arg8[%get3A_656] {strides = array<i32>} : memref<18432xf32, #tpu.memory_space<vmem>>, vector<16xf32>,
      tpu.vector_store_idx %arg10[%add3A_655], %get3A_657 {add = true} : memref<256xf32, #tpu.memory_space<vmem>>[vector<16xi32>], vector<16xf32>,
      %add3A_658 = arith.constant 112 : i32
      %add3A_659 = arith.addi %mul3A_559, %add3A_658 : i32
      %get3A_660 = arith.index_cast %add3A_659 : i32 to index
      %get3A_661 = tpu.vector_load %arg6[%get3A_660] {strides = array<i32>} : memref<18432xi32, #tpu.memory_space<vmem>>, vector<16xi32>,
      tpu.vector_store_idx %arg11[%get3A_661], %broadcast_in_dim3A_83 {add = true} : memref<256xf32, #tpu.memory_space<vmem>>[vector<16xi32>], vector<16xf32>,
      %add3A_662 = arith.constant 48 : i32
      %add3A_663 = vector.broadcast %add3A_662 : i32 to vector<16xi32>
      %add3A_664 = arith.addi %get3A_661, %add3A_663 : vector<16xi32>
      %get3A_665 = arith.index_cast %add3A_659 : i32 to index
      %get3A_666 = tpu.vector_load %arg7[%get3A_665] {strides = array<i32>} : memref<18432xf32, #tpu.memory_space<vmem>>, vector<16xf32>,
      tpu.vector_store_idx %arg11[%add3A_664], %get3A_666 {add = true} : memref<256xf32, #tpu.memory_space<vmem>>[vector<16xi32>], vector<16xf32>,
      %add3A_667 = arith.constant 96 : i32
      %add3A_668 = vector.broadcast %add3A_667 : i32 to vector<16xi32>
      %add3A_669 = arith.addi %get3A_661, %add3A_668 : vector<16xi32>
      %get3A_670 = arith.index_cast %add3A_659 : i32 to index
      %get3A_671 = tpu.vector_load %arg8[%get3A_670] {strides = array<i32>} : memref<18432xf32, #tpu.memory_space<vmem>>, vector<16xf32>,
      tpu.vector_store_idx %arg11[%add3A_669], %get3A_671 {add = true} : memref<256xf32, #tpu.memory_space<vmem>>[vector<16xi32>], vector<16xf32>,
    }
    %scan3A_88 = arith.constant 144 : i32
    %get3A = arith.constant 0 : index
    %get3A_89 = tpu.vector_load %arg10[%get3A] {strides = array<i32>} : memref<256xf32, #tpu.memory_space<vmem>>, vector<16xf32>,
    %get3A_90 = arith.constant 0 : index
    %get3A_91 = tpu.vector_load %arg11[%get3A_90] {strides = array<i32>} : memref<256xf32, #tpu.memory_space<vmem>>, vector<16xf32>,
    %add3A_92 = arith.addf %get3A_89, %get3A_91 : vector<16xf32>
    %swap3A_93 = arith.constant 0 : index
    %swap3A_94 = tpu.vector_load %arg10[%swap3A_93] {strides = array<i32>} : memref<256xf32, #tpu.memory_space<vmem>>, vector<16xf32>,
    tpu.vector_store %arg10[%swap3A_93], %add3A_92 {strides = array<i32>} : memref<256xf32, #tpu.memory_space<vmem>>, vector<16xf32>,
    %get3A_95 = arith.constant 16 : index
    %get3A_96 = tpu.vector_load %arg10[%get3A_95] {strides = array<i32>} : memref<256xf32, #tpu.memory_space<vmem>>, vector<16xf32>,
    %get3A_97 = arith.constant 16 : index
    %get3A_98 = tpu.vector_load %arg11[%get3A_97] {strides = array<i32>} : memref<256xf32, #tpu.memory_space<vmem>>, vector<16xf32>,
    %add3A_99 = arith.addf %get3A_96, %get3A_98 : vector<16xf32>
    %swap3A_100 = arith.constant 16 : index
    %swap3A_101 = tpu.vector_load %arg10[%swap3A_100] {strides = array<i32>} : memref<256xf32, #tpu.memory_space<vmem>>, vector<16xf32>,
    tpu.vector_store %arg10[%swap3A_100], %add3A_99 {strides = array<i32>} : memref<256xf32, #tpu.memory_space<vmem>>, vector<16xf32>,
    %get3A_102 = arith.constant 32 : index
    %get3A_103 = tpu.vector_load %arg10[%get3A_102] {strides = array<i32>} : memref<256xf32, #tpu.memory_space<vmem>>, vector<16xf32>,
    %get3A_104 = arith.constant 32 : index
    %get3A_105 = tpu.vector_load %arg11[%get3A_104] {strides = array<i32>} : memref<256xf32, #tpu.memory_space<vmem>>, vector<16xf32>,
    %add3A_106 = arith.addf %get3A_103, %get3A_105 : vector<16xf32>
    %swap3A_107 = arith.constant 32 : index
    %swap3A_108 = tpu.vector_load %arg10[%swap3A_107] {strides = array<i32>} : memref<256xf32, #tpu.memory_space<vmem>>, vector<16xf32>,
    tpu.vector_store %arg10[%swap3A_107], %add3A_106 {strides = array<i32>} : memref<256xf32, #tpu.memory_space<vmem>>, vector<16xf32>,
    %get3A_109 = arith.constant 48 : index
    %get3A_110 = tpu.vector_load %arg10[%get3A_109] {strides = array<i32>} : memref<256xf32, #tpu.memory_space<vmem>>, vector<16xf32>,
    %get3A_111 = arith.constant 48 : index
    %get3A_112 = tpu.vector_load %arg11[%get3A_111] {strides = array<i32>} : memref<256xf32, #tpu.memory_space<vmem>>, vector<16xf32>,
    %add3A_113 = arith.addf %get3A_110, %get3A_112 : vector<16xf32>
    %swap3A_114 = arith.constant 48 : index
    %swap3A_115 = tpu.vector_load %arg10[%swap3A_114] {strides = array<i32>} : memref<256xf32, #tpu.memory_space<vmem>>, vector<16xf32>,
    tpu.vector_store %arg10[%swap3A_114], %add3A_113 {strides = array<i32>} : memref<256xf32, #tpu.memory_space<vmem>>, vector<16xf32>,
    %get3A_116 = arith.constant 64 : index
    %get3A_117 = tpu.vector_load %arg10[%get3A_116] {strides = array<i32>} : memref<256xf32, #tpu.memory_space<vmem>>, vector<16xf32>,
    %get3A_118 = arith.constant 64 : index
    %get3A_119 = tpu.vector_load %arg11[%get3A_118] {strides = array<i32>} : memref<256xf32, #tpu.memory_space<vmem>>, vector<16xf32>,
    %add3A_120 = arith.addf %get3A_117, %get3A_119 : vector<16xf32>
    %swap3A_121 = arith.constant 64 : index
    %swap3A_122 = tpu.vector_load %arg10[%swap3A_121] {strides = array<i32>} : memref<256xf32, #tpu.memory_space<vmem>>, vector<16xf32>,
    tpu.vector_store %arg10[%swap3A_121], %add3A_120 {strides = array<i32>} : memref<256xf32, #tpu.memory_space<vmem>>, vector<16xf32>,
    %get3A_123 = arith.constant 80 : index
    %get3A_124 = tpu.vector_load %arg10[%get3A_123] {strides = array<i32>} : memref<256xf32, #tpu.memory_space<vmem>>, vector<16xf32>,
    %get3A_125 = arith.constant 80 : index
    %get3A_126 = tpu.vector_load %arg11[%get3A_125] {strides = array<i32>} : memref<256xf32, #tpu.memory_space<vmem>>, vector<16xf32>,
    %add3A_127 = arith.addf %get3A_124, %get3A_126 : vector<16xf32>
    %swap3A_128 = arith.constant 80 : index
    %swap3A_129 = tpu.vector_load %arg10[%swap3A_128] {strides = array<i32>} : memref<256xf32, #tpu.memory_space<vmem>>, vector<16xf32>,
    tpu.vector_store %arg10[%swap3A_128], %add3A_127 {strides = array<i32>} : memref<256xf32, #tpu.memory_space<vmem>>, vector<16xf32>,
    %get3A_130 = arith.constant 96 : index
    %get3A_131 = tpu.vector_load %arg10[%get3A_130] {strides = array<i32>} : memref<256xf32, #tpu.memory_space<vmem>>, vector<16xf32>,
    %get3A_132 = arith.constant 96 : index
    %get3A_133 = tpu.vector_load %arg11[%get3A_132] {strides = array<i32>} : memref<256xf32, #tpu.memory_space<vmem>>, vector<16xf32>,
    %add3A_134 = arith.addf %get3A_131, %get3A_133 : vector<16xf32>
    %swap3A_135 = arith.constant 96 : index
    %swap3A_136 = tpu.vector_load %arg10[%swap3A_135] {strides = array<i32>} : memref<256xf32, #tpu.memory_space<vmem>>, vector<16xf32>,
    tpu.vector_store %arg10[%swap3A_135], %add3A_134 {strides = array<i32>} : memref<256xf32, #tpu.memory_space<vmem>>, vector<16xf32>,
    %get3A_137 = arith.constant 112 : index
    %get3A_138 = tpu.vector_load %arg10[%get3A_137] {strides = array<i32>} : memref<256xf32, #tpu.memory_space<vmem>>, vector<16xf32>,
    %get3A_139 = arith.constant 112 : index
    %get3A_140 = tpu.vector_load %arg11[%get3A_139] {strides = array<i32>} : memref<256xf32, #tpu.memory_space<vmem>>, vector<16xf32>,
    %add3A_141 = arith.addf %get3A_138, %get3A_140 : vector<16xf32>
    %swap3A_142 = arith.constant 112 : index
    %swap3A_143 = tpu.vector_load %arg10[%swap3A_142] {strides = array<i32>} : memref<256xf32, #tpu.memory_space<vmem>>, vector<16xf32>,
    tpu.vector_store %arg10[%swap3A_142], %add3A_141 {strides = array<i32>} : memref<256xf32, #tpu.memory_space<vmem>>, vector<16xf32>,
    %get3A_144 = arith.constant 128 : index
    %get3A_145 = tpu.vector_load %arg10[%get3A_144] {strides = array<i32>} : memref<256xf32, #tpu.memory_space<vmem>>, vector<16xf32>,
    %get3A_146 = arith.constant 128 : index
    %get3A_147 = tpu.vector_load %arg11[%get3A_146] {strides = array<i32>} : memref<256xf32, #tpu.memory_space<vmem>>, vector<16xf32>,
    %add3A_148 = arith.addf %get3A_145, %get3A_147 : vector<16xf32>
    %swap3A_149 = arith.constant 128 : index
    %swap3A_150 = tpu.vector_load %arg10[%swap3A_149] {strides = array<i32>} : memref<256xf32, #tpu.memory_space<vmem>>, vector<16xf32>,
    tpu.vector_store %arg10[%swap3A_149], %add3A_148 {strides = array<i32>} : memref<256xf32, #tpu.memory_space<vmem>>, vector<16xf32>,
    "tpu.region"() ({
      %run_scoped3A = tpu.sem_alloc : memref<!tpu.dma_semaphore, #tpu.memory_space<semaphore_mem>>
      %dma_start3A_557 = arith.constant 0 : i32
      %dma_start3A_558 = tpu.memref_slice %arg15[%arg1, %dma_start3A_557] : memref<16x256xf32, #tpu.memory_space<vmem_shared>> -> memref<1x256xf32, #tpu.memory_space<vmem_shared>>
      %dma_start3A_559 = tpu.memref_squeeze %dma_start3A_558 : memref<1x256xf32, #tpu.memory_space<vmem_shared>> -> memref<256xf32, #tpu.memory_space<vmem_shared>>
      %dma_start3A_560 = arith.constant 0 : i32
      %dma_start3A_561 = tpu.memref_slice %arg15[%arg1, %dma_start3A_560] : memref<16x256xf32, #tpu.memory_space<vmem_shared>> -> memref<1x256xf32, #tpu.memory_space<vmem_shared>>
      %dma_start3A_562 = tpu.memref_squeeze %dma_start3A_561 : memref<1x256xf32, #tpu.memory_space<vmem_shared>> -> memref<256xf32, #tpu.memory_space<vmem_shared>>
      tpu.enqueue_dma source(%arg10 : memref<256xf32, #tpu.memory_space<vmem>>) target(%dma_start3A_562 : memref<256xf32, #tpu.memory_space<vmem_shared>>) target_semaphore(%run_scoped3A : memref<!tpu.dma_semaphore, #tpu.memory_space<semaphore_mem>>)
      %dma_wait3A_563 = arith.constant 0 : i32
      %dma_wait3A_564 = tpu.memref_slice %arg15[%arg1, %dma_wait3A_563] : memref<16x256xf32, #tpu.memory_space<vmem_shared>> -> memref<1x256xf32, #tpu.memory_space<vmem_shared>>
      %dma_wait3A_565 = tpu.memref_squeeze %dma_wait3A_564 : memref<1x256xf32, #tpu.memory_space<vmem_shared>> -> memref<256xf32, #tpu.memory_space<vmem_shared>>
      %dma_wait3A_566 = arith.constant 0 : i32
      %dma_wait3A_567 = tpu.memref_slice %arg15[%arg1, %dma_wait3A_566] : memref<16x256xf32, #tpu.memory_space<vmem_shared>> -> memref<1x256xf32, #tpu.memory_space<vmem_shared>>
      %dma_wait3A_568 = tpu.memref_squeeze %dma_wait3A_567 : memref<1x256xf32, #tpu.memory_space<vmem_shared>> -> memref<256xf32, #tpu.memory_space<vmem_shared>>
      tpu.wait_dma2 semaphore(%run_scoped3A : memref<!tpu.dma_semaphore, #tpu.memory_space<semaphore_mem>>) src(%arg10 : memref<256xf32, #tpu.memory_space<vmem>>) dst(%dma_wait3A_568 : memref<256xf32, #tpu.memory_space<vmem_shared>>)
      tpu.yield
    }) : () -> ()
    %barrier3A = arith.constant 0 : index
    tpu.barrier barrier_id(%barrier3A)
    %mul3A_151 = arith.constant 8 : i32
    %mul3A_152 = arith.muli %select_n3A, %mul3A_151 : i32
    "tpu.region"() ({
      %run_scoped3A = tpu.sem_alloc : memref<!tpu.dma_semaphore, #tpu.memory_space<semaphore_mem>>
      %dma_start3A_557 = arith.constant 0 : i32
      %dma_start3A_558 = tpu.memref_slice %arg15[%mul3A_152, %dma_start3A_557] : memref<16x256xf32, #tpu.memory_space<vmem_shared>> -> memref<8x256xf32, #tpu.memory_space<vmem_shared>>
      %dma_start3A_559 = arith.constant 0 : i32
      %dma_start3A_560 = tpu.memref_slice %arg15[%mul3A_152, %dma_start3A_559] : memref<16x256xf32, #tpu.memory_space<vmem_shared>> -> memref<8x256xf32, #tpu.memory_space<vmem_shared>>
      tpu.enqueue_dma source(%dma_start3A_560 : memref<8x256xf32, #tpu.memory_space<vmem_shared>>) target(%arg14 : memref<8x256xf32, #tpu.memory_space<vmem>>) target_semaphore(%run_scoped3A : memref<!tpu.dma_semaphore, #tpu.memory_space<semaphore_mem>>)
      %dma_wait3A_561 = arith.constant 0 : i32
      %dma_wait3A_562 = tpu.memref_slice %arg15[%mul3A_152, %dma_wait3A_561] : memref<16x256xf32, #tpu.memory_space<vmem_shared>> -> memref<8x256xf32, #tpu.memory_space<vmem_shared>>
      %dma_wait3A_563 = arith.constant 0 : i32
      %dma_wait3A_564 = tpu.memref_slice %arg15[%mul3A_152, %dma_wait3A_563] : memref<16x256xf32, #tpu.memory_space<vmem_shared>> -> memref<8x256xf32, #tpu.memory_space<vmem_shared>>
      tpu.wait_dma2 semaphore(%run_scoped3A : memref<!tpu.dma_semaphore, #tpu.memory_space<semaphore_mem>>) src(%dma_wait3A_564 : memref<8x256xf32, #tpu.memory_space<vmem_shared>>) dst(%arg14 : memref<8x256xf32, #tpu.memory_space<vmem>>)
      tpu.yield
    }) : () -> ()
    %iota3A = tpu.iota {dimensions = array<i32: 0>} : vector<16xi32>
    %get3A_153 = arith.constant 0 : i32
    %get3A_154 = arith.index_cast %get3A_153 : i32 to index
    %get3A_155 = arith.constant 0 : index
    %get3A_156 = tpu.vector_load %arg14[%get3A_154, %get3A_155] {strides = array<i32>} : memref<8x256xf32, #tpu.memory_space<vmem>>, vector<16xf32>,
    %get3A_157 = arith.constant 0 : i32
    %get3A_158 = arith.index_cast %get3A_157 : i32 to index
    %get3A_159 = arith.constant 48 : index
    %get3A_160 = tpu.vector_load %arg14[%get3A_158, %get3A_159] {strides = array<i32>} : memref<8x256xf32, #tpu.memory_space<vmem>>, vector<16xf32>,
    %get3A_161 = arith.constant 0 : i32
    %get3A_162 = arith.index_cast %get3A_161 : i32 to index
    %get3A_163 = arith.constant 96 : index
    %get3A_164 = tpu.vector_load %arg14[%get3A_162, %get3A_163] {strides = array<i32>} : memref<8x256xf32, #tpu.memory_space<vmem>>, vector<16xf32>,
    %get3A_165 = arith.constant 1 : i32
    %get3A_166 = arith.index_cast %get3A_165 : i32 to index
    %get3A_167 = arith.constant 0 : index
    %get3A_168 = tpu.vector_load %arg14[%get3A_166, %get3A_167] {strides = array<i32>} : memref<8x256xf32, #tpu.memory_space<vmem>>, vector<16xf32>,
    %add3A_169 = arith.addf %get3A_156, %get3A_168 : vector<16xf32>
    %get3A_170 = arith.constant 1 : i32
    %get3A_171 = arith.index_cast %get3A_170 : i32 to index
    %get3A_172 = arith.constant 48 : index
    %get3A_173 = tpu.vector_load %arg14[%get3A_171, %get3A_172] {strides = array<i32>} : memref<8x256xf32, #tpu.memory_space<vmem>>, vector<16xf32>,
    %add3A_174 = arith.addf %get3A_160, %get3A_173 : vector<16xf32>
    %get3A_175 = arith.constant 1 : i32
    %get3A_176 = arith.index_cast %get3A_175 : i32 to index
    %get3A_177 = arith.constant 96 : index
    %get3A_178 = tpu.vector_load %arg14[%get3A_176, %get3A_177] {strides = array<i32>} : memref<8x256xf32, #tpu.memory_space<vmem>>, vector<16xf32>,
    %add3A_179 = arith.addf %get3A_164, %get3A_178 : vector<16xf32>
    %get3A_180 = arith.constant 2 : i32
    %get3A_181 = arith.index_cast %get3A_180 : i32 to index
    %get3A_182 = arith.constant 0 : index
    %get3A_183 = tpu.vector_load %arg14[%get3A_181, %get3A_182] {strides = array<i32>} : memref<8x256xf32, #tpu.memory_space<vmem>>, vector<16xf32>,
    %add3A_184 = arith.addf %add3A_169, %get3A_183 : vector<16xf32>
    %get3A_185 = arith.constant 2 : i32
    %get3A_186 = arith.index_cast %get3A_185 : i32 to index
    %get3A_187 = arith.constant 48 : index
    %get3A_188 = tpu.vector_load %arg14[%get3A_186, %get3A_187] {strides = array<i32>} : memref<8x256xf32, #tpu.memory_space<vmem>>, vector<16xf32>,
    %add3A_189 = arith.addf %add3A_174, %get3A_188 : vector<16xf32>
    %get3A_190 = arith.constant 2 : i32
    %get3A_191 = arith.index_cast %get3A_190 : i32 to index
    %get3A_192 = arith.constant 96 : index
    %get3A_193 = tpu.vector_load %arg14[%get3A_191, %get3A_192] {strides = array<i32>} : memref<8x256xf32, #tpu.memory_space<vmem>>, vector<16xf32>,
    %add3A_194 = arith.addf %add3A_179, %get3A_193 : vector<16xf32>
    %get3A_195 = arith.constant 3 : i32
    %get3A_196 = arith.index_cast %get3A_195 : i32 to index
    %get3A_197 = arith.constant 0 : index
    %get3A_198 = tpu.vector_load %arg14[%get3A_196, %get3A_197] {strides = array<i32>} : memref<8x256xf32, #tpu.memory_space<vmem>>, vector<16xf32>,
    %add3A_199 = arith.addf %add3A_184, %get3A_198 : vector<16xf32>
    %get3A_200 = arith.constant 3 : i32
    %get3A_201 = arith.index_cast %get3A_200 : i32 to index
    %get3A_202 = arith.constant 48 : index
    %get3A_203 = tpu.vector_load %arg14[%get3A_201, %get3A_202] {strides = array<i32>} : memref<8x256xf32, #tpu.memory_space<vmem>>, vector<16xf32>,
    %add3A_204 = arith.addf %add3A_189, %get3A_203 : vector<16xf32>
    %get3A_205 = arith.constant 3 : i32
    %get3A_206 = arith.index_cast %get3A_205 : i32 to index
    %get3A_207 = arith.constant 96 : index
    %get3A_208 = tpu.vector_load %arg14[%get3A_206, %get3A_207] {strides = array<i32>} : memref<8x256xf32, #tpu.memory_space<vmem>>, vector<16xf32>,
    %add3A_209 = arith.addf %add3A_194, %get3A_208 : vector<16xf32>
    %get3A_210 = arith.constant 4 : i32
    %get3A_211 = arith.index_cast %get3A_210 : i32 to index
    %get3A_212 = arith.constant 0 : index
    %get3A_213 = tpu.vector_load %arg14[%get3A_211, %get3A_212] {strides = array<i32>} : memref<8x256xf32, #tpu.memory_space<vmem>>, vector<16xf32>,
    %add3A_214 = arith.addf %add3A_199, %get3A_213 : vector<16xf32>
    %get3A_215 = arith.constant 4 : i32
    %get3A_216 = arith.index_cast %get3A_215 : i32 to index
    %get3A_217 = arith.constant 48 : index
    %get3A_218 = tpu.vector_load %arg14[%get3A_216, %get3A_217] {strides = array<i32>} : memref<8x256xf32, #tpu.memory_space<vmem>>, vector<16xf32>,
    %add3A_219 = arith.addf %add3A_204, %get3A_218 : vector<16xf32>
    %get3A_220 = arith.constant 4 : i32
    %get3A_221 = arith.index_cast %get3A_220 : i32 to index
    %get3A_222 = arith.constant 96 : index
    %get3A_223 = tpu.vector_load %arg14[%get3A_221, %get3A_222] {strides = array<i32>} : memref<8x256xf32, #tpu.memory_space<vmem>>, vector<16xf32>,
    %add3A_224 = arith.addf %add3A_209, %get3A_223 : vector<16xf32>
    %get3A_225 = arith.constant 5 : i32
    %get3A_226 = arith.index_cast %get3A_225 : i32 to index
    %get3A_227 = arith.constant 0 : index
    %get3A_228 = tpu.vector_load %arg14[%get3A_226, %get3A_227] {strides = array<i32>} : memref<8x256xf32, #tpu.memory_space<vmem>>, vector<16xf32>,
    %add3A_229 = arith.addf %add3A_214, %get3A_228 : vector<16xf32>
    %get3A_230 = arith.constant 5 : i32
    %get3A_231 = arith.index_cast %get3A_230 : i32 to index
    %get3A_232 = arith.constant 48 : index
    %get3A_233 = tpu.vector_load %arg14[%get3A_231, %get3A_232] {strides = array<i32>} : memref<8x256xf32, #tpu.memory_space<vmem>>, vector<16xf32>,
    %add3A_234 = arith.addf %add3A_219, %get3A_233 : vector<16xf32>
    %get3A_235 = arith.constant 5 : i32
    %get3A_236 = arith.index_cast %get3A_235 : i32 to index
    %get3A_237 = arith.constant 96 : index
    %get3A_238 = tpu.vector_load %arg14[%get3A_236, %get3A_237] {strides = array<i32>} : memref<8x256xf32, #tpu.memory_space<vmem>>, vector<16xf32>,
    %add3A_239 = arith.addf %add3A_224, %get3A_238 : vector<16xf32>
    %get3A_240 = arith.constant 6 : i32
    %get3A_241 = arith.index_cast %get3A_240 : i32 to index
    %get3A_242 = arith.constant 0 : index
    %get3A_243 = tpu.vector_load %arg14[%get3A_241, %get3A_242] {strides = array<i32>} : memref<8x256xf32, #tpu.memory_space<vmem>>, vector<16xf32>,
    %add3A_244 = arith.addf %add3A_229, %get3A_243 : vector<16xf32>
    %get3A_245 = arith.constant 6 : i32
    %get3A_246 = arith.index_cast %get3A_245 : i32 to index
    %get3A_247 = arith.constant 48 : index
    %get3A_248 = tpu.vector_load %arg14[%get3A_246, %get3A_247] {strides = array<i32>} : memref<8x256xf32, #tpu.memory_space<vmem>>, vector<16xf32>,
    %add3A_249 = arith.addf %add3A_234, %get3A_248 : vector<16xf32>
    %get3A_250 = arith.constant 6 : i32
    %get3A_251 = arith.index_cast %get3A_250 : i32 to index
    %get3A_252 = arith.constant 96 : index
    %get3A_253 = tpu.vector_load %arg14[%get3A_251, %get3A_252] {strides = array<i32>} : memref<8x256xf32, #tpu.memory_space<vmem>>, vector<16xf32>,
    %add3A_254 = arith.addf %add3A_239, %get3A_253 : vector<16xf32>
    %get3A_255 = arith.constant 7 : i32
    %get3A_256 = arith.index_cast %get3A_255 : i32 to index
    %get3A_257 = arith.constant 0 : index
    %get3A_258 = tpu.vector_load %arg14[%get3A_256, %get3A_257] {strides = array<i32>} : memref<8x256xf32, #tpu.memory_space<vmem>>, vector<16xf32>,
    %add3A_259 = arith.addf %add3A_244, %get3A_258 : vector<16xf32>
    %get3A_260 = arith.constant 7 : i32
    %get3A_261 = arith.index_cast %get3A_260 : i32 to index
    %get3A_262 = arith.constant 48 : index
    %get3A_263 = tpu.vector_load %arg14[%get3A_261, %get3A_262] {strides = array<i32>} : memref<8x256xf32, #tpu.memory_space<vmem>>, vector<16xf32>,
    %add3A_264 = arith.addf %add3A_249, %get3A_263 : vector<16xf32>
    %get3A_265 = arith.constant 7 : i32
    %get3A_266 = arith.index_cast %get3A_265 : i32 to index
    %get3A_267 = arith.constant 96 : index
    %get3A_268 = tpu.vector_load %arg14[%get3A_266, %get3A_267] {strides = array<i32>} : memref<8x256xf32, #tpu.memory_space<vmem>>, vector<16xf32>,
    %add3A_269 = arith.addf %add3A_254, %get3A_268 : vector<16xf32>
    %max3A = arith.constant 1.000000e+00 : f32
    %max3A_270 = vector.broadcast %max3A : f32 to vector<16xf32>
    %max3A_271 = arith.maximumf %add3A_259, %max3A_270 : vector<16xf32>
    %div3A_272 = arith.constant 1.000000e+00 : f32
    %div3A_273 = vector.broadcast %div3A_272 : f32 to vector<16xf32>
    %div3A_274 = arith.divf %div3A_273, %max3A_271 : vector<16xf32>
    %mul3A_275 = arith.mulf %add3A_264, %div3A_274 : vector<16xf32>
    %mul3A_276 = arith.mulf %add3A_269, %div3A_274 : vector<16xf32>
    %eq3A_277 = arith.constant 0 : i32
    %eq3A_278 = vector.broadcast %eq3A_277 : i32 to vector<16xi32>
    %eq3A_279 = arith.cmpi eq, %iota3A, %eq3A_278 : vector<16xi32>
    %jit3A_280 = arith.constant 0.000000e+00 : f32
    %broadcast_in_dim3A_281 = vector.broadcast %jit3A_280 : f32 to vector<16xf32>
    %select_n3A_282 = arith.select %eq3A_279, %broadcast_in_dim3A_281, %mul3A_275 : vector<16xi1>, vector<16xf32>
    %eq3A_283 = arith.constant 0 : i32
    %eq3A_284 = vector.broadcast %eq3A_283 : i32 to vector<16xi32>
    %eq3A_285 = arith.cmpi eq, %iota3A, %eq3A_284 : vector<16xi32>
    %jit3A_286 = arith.constant 0.000000e+00 : f32
    %broadcast_in_dim3A_287 = vector.broadcast %jit3A_286 : f32 to vector<16xf32>
    %select_n3A_288 = arith.select %eq3A_285, %broadcast_in_dim3A_287, %mul3A_276 : vector<16xi1>, vector<16xf32>
    %swap3A_289 = arith.constant 0 : index
    %swap3A_290 = tpu.vector_load %arg12[%swap3A_289] {strides = array<i32>} : memref<48xf32, #tpu.memory_space<vmem>>, vector<16xf32>,
    tpu.vector_store %arg12[%swap3A_289], %select_n3A_282 {strides = array<i32>} : memref<48xf32, #tpu.memory_space<vmem>>, vector<16xf32>,
    %swap3A_291 = arith.constant 0 : index
    %swap3A_292 = tpu.vector_load %arg13[%swap3A_291] {strides = array<i32>} : memref<48xf32, #tpu.memory_space<vmem>>, vector<16xf32>,
    tpu.vector_store %arg13[%swap3A_291], %select_n3A_288 {strides = array<i32>} : memref<48xf32, #tpu.memory_space<vmem>>, vector<16xf32>,
    %get3A_293 = arith.constant 0 : i32
    %get3A_294 = arith.index_cast %get3A_293 : i32 to index
    %get3A_295 = arith.constant 16 : index
    %get3A_296 = tpu.vector_load %arg14[%get3A_294, %get3A_295] {strides = array<i32>} : memref<8x256xf32, #tpu.memory_space<vmem>>, vector<16xf32>,
    %get3A_297 = arith.constant 0 : i32
    %get3A_298 = arith.index_cast %get3A_297 : i32 to index
    %get3A_299 = arith.constant 64 : index
    %get3A_300 = tpu.vector_load %arg14[%get3A_298, %get3A_299] {strides = array<i32>} : memref<8x256xf32, #tpu.memory_space<vmem>>, vector<16xf32>,
    %get3A_301 = arith.constant 0 : i32
    %get3A_302 = arith.index_cast %get3A_301 : i32 to index
    %get3A_303 = arith.constant 112 : index
    %get3A_304 = tpu.vector_load %arg14[%get3A_302, %get3A_303] {strides = array<i32>} : memref<8x256xf32, #tpu.memory_space<vmem>>, vector<16xf32>,
    %get3A_305 = arith.constant 1 : i32
    %get3A_306 = arith.index_cast %get3A_305 : i32 to index
    %get3A_307 = arith.constant 16 : index
    %get3A_308 = tpu.vector_load %arg14[%get3A_306, %get3A_307] {strides = array<i32>} : memref<8x256xf32, #tpu.memory_space<vmem>>, vector<16xf32>,
    %add3A_309 = arith.addf %get3A_296, %get3A_308 : vector<16xf32>
    %get3A_310 = arith.constant 1 : i32
    %get3A_311 = arith.index_cast %get3A_310 : i32 to index
    %get3A_312 = arith.constant 64 : index
    %get3A_313 = tpu.vector_load %arg14[%get3A_311, %get3A_312] {strides = array<i32>} : memref<8x256xf32, #tpu.memory_space<vmem>>, vector<16xf32>,
    %add3A_314 = arith.addf %get3A_300, %get3A_313 : vector<16xf32>
    %get3A_315 = arith.constant 1 : i32
    %get3A_316 = arith.index_cast %get3A_315 : i32 to index
    %get3A_317 = arith.constant 112 : index
    %get3A_318 = tpu.vector_load %arg14[%get3A_316, %get3A_317] {strides = array<i32>} : memref<8x256xf32, #tpu.memory_space<vmem>>, vector<16xf32>,
    %add3A_319 = arith.addf %get3A_304, %get3A_318 : vector<16xf32>
    %get3A_320 = arith.constant 2 : i32
    %get3A_321 = arith.index_cast %get3A_320 : i32 to index
    %get3A_322 = arith.constant 16 : index
    %get3A_323 = tpu.vector_load %arg14[%get3A_321, %get3A_322] {strides = array<i32>} : memref<8x256xf32, #tpu.memory_space<vmem>>, vector<16xf32>,
    %add3A_324 = arith.addf %add3A_309, %get3A_323 : vector<16xf32>
    %get3A_325 = arith.constant 2 : i32
    %get3A_326 = arith.index_cast %get3A_325 : i32 to index
    %get3A_327 = arith.constant 64 : index
    %get3A_328 = tpu.vector_load %arg14[%get3A_326, %get3A_327] {strides = array<i32>} : memref<8x256xf32, #tpu.memory_space<vmem>>, vector<16xf32>,
    %add3A_329 = arith.addf %add3A_314, %get3A_328 : vector<16xf32>
    %get3A_330 = arith.constant 2 : i32
    %get3A_331 = arith.index_cast %get3A_330 : i32 to index
    %get3A_332 = arith.constant 112 : index
    %get3A_333 = tpu.vector_load %arg14[%get3A_331, %get3A_332] {strides = array<i32>} : memref<8x256xf32, #tpu.memory_space<vmem>>, vector<16xf32>,
    %add3A_334 = arith.addf %add3A_319, %get3A_333 : vector<16xf32>
    %get3A_335 = arith.constant 3 : i32
    %get3A_336 = arith.index_cast %get3A_335 : i32 to index
    %get3A_337 = arith.constant 16 : index
    %get3A_338 = tpu.vector_load %arg14[%get3A_336, %get3A_337] {strides = array<i32>} : memref<8x256xf32, #tpu.memory_space<vmem>>, vector<16xf32>,
    %add3A_339 = arith.addf %add3A_324, %get3A_338 : vector<16xf32>
    %get3A_340 = arith.constant 3 : i32
    %get3A_341 = arith.index_cast %get3A_340 : i32 to index
    %get3A_342 = arith.constant 64 : index
    %get3A_343 = tpu.vector_load %arg14[%get3A_341, %get3A_342] {strides = array<i32>} : memref<8x256xf32, #tpu.memory_space<vmem>>, vector<16xf32>,
    %add3A_344 = arith.addf %add3A_329, %get3A_343 : vector<16xf32>
    %get3A_345 = arith.constant 3 : i32
    %get3A_346 = arith.index_cast %get3A_345 : i32 to index
    %get3A_347 = arith.constant 112 : index
    %get3A_348 = tpu.vector_load %arg14[%get3A_346, %get3A_347] {strides = array<i32>} : memref<8x256xf32, #tpu.memory_space<vmem>>, vector<16xf32>,
    %add3A_349 = arith.addf %add3A_334, %get3A_348 : vector<16xf32>
    %get3A_350 = arith.constant 4 : i32
    %get3A_351 = arith.index_cast %get3A_350 : i32 to index
    %get3A_352 = arith.constant 16 : index
    %get3A_353 = tpu.vector_load %arg14[%get3A_351, %get3A_352] {strides = array<i32>} : memref<8x256xf32, #tpu.memory_space<vmem>>, vector<16xf32>,
    %add3A_354 = arith.addf %add3A_339, %get3A_353 : vector<16xf32>
    %get3A_355 = arith.constant 4 : i32
    %get3A_356 = arith.index_cast %get3A_355 : i32 to index
    %get3A_357 = arith.constant 64 : index
    %get3A_358 = tpu.vector_load %arg14[%get3A_356, %get3A_357] {strides = array<i32>} : memref<8x256xf32, #tpu.memory_space<vmem>>, vector<16xf32>,
    %add3A_359 = arith.addf %add3A_344, %get3A_358 : vector<16xf32>
    %get3A_360 = arith.constant 4 : i32
    %get3A_361 = arith.index_cast %get3A_360 : i32 to index
    %get3A_362 = arith.constant 112 : index
    %get3A_363 = tpu.vector_load %arg14[%get3A_361, %get3A_362] {strides = array<i32>} : memref<8x256xf32, #tpu.memory_space<vmem>>, vector<16xf32>,
    %add3A_364 = arith.addf %add3A_349, %get3A_363 : vector<16xf32>
    %get3A_365 = arith.constant 5 : i32
    %get3A_366 = arith.index_cast %get3A_365 : i32 to index
    %get3A_367 = arith.constant 16 : index
    %get3A_368 = tpu.vector_load %arg14[%get3A_366, %get3A_367] {strides = array<i32>} : memref<8x256xf32, #tpu.memory_space<vmem>>, vector<16xf32>,
    %add3A_369 = arith.addf %add3A_354, %get3A_368 : vector<16xf32>
    %get3A_370 = arith.constant 5 : i32
    %get3A_371 = arith.index_cast %get3A_370 : i32 to index
    %get3A_372 = arith.constant 64 : index
    %get3A_373 = tpu.vector_load %arg14[%get3A_371, %get3A_372] {strides = array<i32>} : memref<8x256xf32, #tpu.memory_space<vmem>>, vector<16xf32>,
    %add3A_374 = arith.addf %add3A_359, %get3A_373 : vector<16xf32>
    %get3A_375 = arith.constant 5 : i32
    %get3A_376 = arith.index_cast %get3A_375 : i32 to index
    %get3A_377 = arith.constant 112 : index
    %get3A_378 = tpu.vector_load %arg14[%get3A_376, %get3A_377] {strides = array<i32>} : memref<8x256xf32, #tpu.memory_space<vmem>>, vector<16xf32>,
    %add3A_379 = arith.addf %add3A_364, %get3A_378 : vector<16xf32>
    %get3A_380 = arith.constant 6 : i32
    %get3A_381 = arith.index_cast %get3A_380 : i32 to index
    %get3A_382 = arith.constant 16 : index
    %get3A_383 = tpu.vector_load %arg14[%get3A_381, %get3A_382] {strides = array<i32>} : memref<8x256xf32, #tpu.memory_space<vmem>>, vector<16xf32>,
    %add3A_384 = arith.addf %add3A_369, %get3A_383 : vector<16xf32>
    %get3A_385 = arith.constant 6 : i32
    %get3A_386 = arith.index_cast %get3A_385 : i32 to index
    %get3A_387 = arith.constant 64 : index
    %get3A_388 = tpu.vector_load %arg14[%get3A_386, %get3A_387] {strides = array<i32>} : memref<8x256xf32, #tpu.memory_space<vmem>>, vector<16xf32>,
    %add3A_389 = arith.addf %add3A_374, %get3A_388 : vector<16xf32>
    %get3A_390 = arith.constant 6 : i32
    %get3A_391 = arith.index_cast %get3A_390 : i32 to index
    %get3A_392 = arith.constant 112 : index
    %get3A_393 = tpu.vector_load %arg14[%get3A_391, %get3A_392] {strides = array<i32>} : memref<8x256xf32, #tpu.memory_space<vmem>>, vector<16xf32>,
    %add3A_394 = arith.addf %add3A_379, %get3A_393 : vector<16xf32>
    %get3A_395 = arith.constant 7 : i32
    %get3A_396 = arith.index_cast %get3A_395 : i32 to index
    %get3A_397 = arith.constant 16 : index
    %get3A_398 = tpu.vector_load %arg14[%get3A_396, %get3A_397] {strides = array<i32>} : memref<8x256xf32, #tpu.memory_space<vmem>>, vector<16xf32>,
    %add3A_399 = arith.addf %add3A_384, %get3A_398 : vector<16xf32>
    %get3A_400 = arith.constant 7 : i32
    %get3A_401 = arith.index_cast %get3A_400 : i32 to index
    %get3A_402 = arith.constant 64 : index
    %get3A_403 = tpu.vector_load %arg14[%get3A_401, %get3A_402] {strides = array<i32>} : memref<8x256xf32, #tpu.memory_space<vmem>>, vector<16xf32>,
    %add3A_404 = arith.addf %add3A_389, %get3A_403 : vector<16xf32>
    %get3A_405 = arith.constant 7 : i32
    %get3A_406 = arith.index_cast %get3A_405 : i32 to index
    %get3A_407 = arith.constant 112 : index
    %get3A_408 = tpu.vector_load %arg14[%get3A_406, %get3A_407] {strides = array<i32>} : memref<8x256xf32, #tpu.memory_space<vmem>>, vector<16xf32>,
    %add3A_409 = arith.addf %add3A_394, %get3A_408 : vector<16xf32>
    %max3A_410 = arith.constant 1.000000e+00 : f32
    %max3A_411 = vector.broadcast %max3A_410 : f32 to vector<16xf32>
    %max3A_412 = arith.maximumf %add3A_399, %max3A_411 : vector<16xf32>
    %div3A_413 = arith.constant 1.000000e+00 : f32
    %div3A_414 = vector.broadcast %div3A_413 : f32 to vector<16xf32>
    %div3A_415 = arith.divf %div3A_414, %max3A_412 : vector<16xf32>
    %mul3A_416 = arith.mulf %add3A_404, %div3A_415 : vector<16xf32>
    %mul3A_417 = arith.mulf %add3A_409, %div3A_415 : vector<16xf32>
    %swap3A_418 = arith.constant 16 : index
    %swap3A_419 = tpu.vector_load %arg12[%swap3A_418] {strides = array<i32>} : memref<48xf32, #tpu.memory_space<vmem>>, vector<16xf32>,
    tpu.vector_store %arg12[%swap3A_418], %mul3A_416 {strides = array<i32>} : memref<48xf32, #tpu.memory_space<vmem>>, vector<16xf32>,
    %swap3A_420 = arith.constant 16 : index
    %swap3A_421 = tpu.vector_load %arg13[%swap3A_420] {strides = array<i32>} : memref<48xf32, #tpu.memory_space<vmem>>, vector<16xf32>,
    tpu.vector_store %arg13[%swap3A_420], %mul3A_417 {strides = array<i32>} : memref<48xf32, #tpu.memory_space<vmem>>, vector<16xf32>,
    %get3A_422 = arith.constant 0 : i32
    %get3A_423 = arith.index_cast %get3A_422 : i32 to index
    %get3A_424 = arith.constant 32 : index
    %get3A_425 = tpu.vector_load %arg14[%get3A_423, %get3A_424] {strides = array<i32>} : memref<8x256xf32, #tpu.memory_space<vmem>>, vector<16xf32>,
    %get3A_426 = arith.constant 0 : i32
    %get3A_427 = arith.index_cast %get3A_426 : i32 to index
    %get3A_428 = arith.constant 80 : index
    %get3A_429 = tpu.vector_load %arg14[%get3A_427, %get3A_428] {strides = array<i32>} : memref<8x256xf32, #tpu.memory_space<vmem>>, vector<16xf32>,
    %get3A_430 = arith.constant 0 : i32
    %get3A_431 = arith.index_cast %get3A_430 : i32 to index
    %get3A_432 = arith.constant 128 : index
    %get3A_433 = tpu.vector_load %arg14[%get3A_431, %get3A_432] {strides = array<i32>} : memref<8x256xf32, #tpu.memory_space<vmem>>, vector<16xf32>,
    %get3A_434 = arith.constant 1 : i32
    %get3A_435 = arith.index_cast %get3A_434 : i32 to index
    %get3A_436 = arith.constant 32 : index
    %get3A_437 = tpu.vector_load %arg14[%get3A_435, %get3A_436] {strides = array<i32>} : memref<8x256xf32, #tpu.memory_space<vmem>>, vector<16xf32>,
    %add3A_438 = arith.addf %get3A_425, %get3A_437 : vector<16xf32>
    %get3A_439 = arith.constant 1 : i32
    %get3A_440 = arith.index_cast %get3A_439 : i32 to index
    %get3A_441 = arith.constant 80 : index
    %get3A_442 = tpu.vector_load %arg14[%get3A_440, %get3A_441] {strides = array<i32>} : memref<8x256xf32, #tpu.memory_space<vmem>>, vector<16xf32>,
    %add3A_443 = arith.addf %get3A_429, %get3A_442 : vector<16xf32>
    %get3A_444 = arith.constant 1 : i32
    %get3A_445 = arith.index_cast %get3A_444 : i32 to index
    %get3A_446 = arith.constant 128 : index
    %get3A_447 = tpu.vector_load %arg14[%get3A_445, %get3A_446] {strides = array<i32>} : memref<8x256xf32, #tpu.memory_space<vmem>>, vector<16xf32>,
    %add3A_448 = arith.addf %get3A_433, %get3A_447 : vector<16xf32>
    %get3A_449 = arith.constant 2 : i32
    %get3A_450 = arith.index_cast %get3A_449 : i32 to index
    %get3A_451 = arith.constant 32 : index
    %get3A_452 = tpu.vector_load %arg14[%get3A_450, %get3A_451] {strides = array<i32>} : memref<8x256xf32, #tpu.memory_space<vmem>>, vector<16xf32>,
    %add3A_453 = arith.addf %add3A_438, %get3A_452 : vector<16xf32>
    %get3A_454 = arith.constant 2 : i32
    %get3A_455 = arith.index_cast %get3A_454 : i32 to index
    %get3A_456 = arith.constant 80 : index
    %get3A_457 = tpu.vector_load %arg14[%get3A_455, %get3A_456] {strides = array<i32>} : memref<8x256xf32, #tpu.memory_space<vmem>>, vector<16xf32>,
    %add3A_458 = arith.addf %add3A_443, %get3A_457 : vector<16xf32>
    %get3A_459 = arith.constant 2 : i32
    %get3A_460 = arith.index_cast %get3A_459 : i32 to index
    %get3A_461 = arith.constant 128 : index
    %get3A_462 = tpu.vector_load %arg14[%get3A_460, %get3A_461] {strides = array<i32>} : memref<8x256xf32, #tpu.memory_space<vmem>>, vector<16xf32>,
    %add3A_463 = arith.addf %add3A_448, %get3A_462 : vector<16xf32>
    %get3A_464 = arith.constant 3 : i32
    %get3A_465 = arith.index_cast %get3A_464 : i32 to index
    %get3A_466 = arith.constant 32 : index
    %get3A_467 = tpu.vector_load %arg14[%get3A_465, %get3A_466] {strides = array<i32>} : memref<8x256xf32, #tpu.memory_space<vmem>>, vector<16xf32>,
    %add3A_468 = arith.addf %add3A_453, %get3A_467 : vector<16xf32>
    %get3A_469 = arith.constant 3 : i32
    %get3A_470 = arith.index_cast %get3A_469 : i32 to index
    %get3A_471 = arith.constant 80 : index
    %get3A_472 = tpu.vector_load %arg14[%get3A_470, %get3A_471] {strides = array<i32>} : memref<8x256xf32, #tpu.memory_space<vmem>>, vector<16xf32>,
    %add3A_473 = arith.addf %add3A_458, %get3A_472 : vector<16xf32>
    %get3A_474 = arith.constant 3 : i32
    %get3A_475 = arith.index_cast %get3A_474 : i32 to index
    %get3A_476 = arith.constant 128 : index
    %get3A_477 = tpu.vector_load %arg14[%get3A_475, %get3A_476] {strides = array<i32>} : memref<8x256xf32, #tpu.memory_space<vmem>>, vector<16xf32>,
    %add3A_478 = arith.addf %add3A_463, %get3A_477 : vector<16xf32>
    %get3A_479 = arith.constant 4 : i32
    %get3A_480 = arith.index_cast %get3A_479 : i32 to index
    %get3A_481 = arith.constant 32 : index
    %get3A_482 = tpu.vector_load %arg14[%get3A_480, %get3A_481] {strides = array<i32>} : memref<8x256xf32, #tpu.memory_space<vmem>>, vector<16xf32>,
    %add3A_483 = arith.addf %add3A_468, %get3A_482 : vector<16xf32>
    %get3A_484 = arith.constant 4 : i32
    %get3A_485 = arith.index_cast %get3A_484 : i32 to index
    %get3A_486 = arith.constant 80 : index
    %get3A_487 = tpu.vector_load %arg14[%get3A_485, %get3A_486] {strides = array<i32>} : memref<8x256xf32, #tpu.memory_space<vmem>>, vector<16xf32>,
    %add3A_488 = arith.addf %add3A_473, %get3A_487 : vector<16xf32>
    %get3A_489 = arith.constant 4 : i32
    %get3A_490 = arith.index_cast %get3A_489 : i32 to index
    %get3A_491 = arith.constant 128 : index
    %get3A_492 = tpu.vector_load %arg14[%get3A_490, %get3A_491] {strides = array<i32>} : memref<8x256xf32, #tpu.memory_space<vmem>>, vector<16xf32>,
    %add3A_493 = arith.addf %add3A_478, %get3A_492 : vector<16xf32>
    %get3A_494 = arith.constant 5 : i32
    %get3A_495 = arith.index_cast %get3A_494 : i32 to index
    %get3A_496 = arith.constant 32 : index
    %get3A_497 = tpu.vector_load %arg14[%get3A_495, %get3A_496] {strides = array<i32>} : memref<8x256xf32, #tpu.memory_space<vmem>>, vector<16xf32>,
    %add3A_498 = arith.addf %add3A_483, %get3A_497 : vector<16xf32>
    %get3A_499 = arith.constant 5 : i32
    %get3A_500 = arith.index_cast %get3A_499 : i32 to index
    %get3A_501 = arith.constant 80 : index
    %get3A_502 = tpu.vector_load %arg14[%get3A_500, %get3A_501] {strides = array<i32>} : memref<8x256xf32, #tpu.memory_space<vmem>>, vector<16xf32>,
    %add3A_503 = arith.addf %add3A_488, %get3A_502 : vector<16xf32>
    %get3A_504 = arith.constant 5 : i32
    %get3A_505 = arith.index_cast %get3A_504 : i32 to index
    %get3A_506 = arith.constant 128 : index
    %get3A_507 = tpu.vector_load %arg14[%get3A_505, %get3A_506] {strides = array<i32>} : memref<8x256xf32, #tpu.memory_space<vmem>>, vector<16xf32>,
    %add3A_508 = arith.addf %add3A_493, %get3A_507 : vector<16xf32>
    %get3A_509 = arith.constant 6 : i32
    %get3A_510 = arith.index_cast %get3A_509 : i32 to index
    %get3A_511 = arith.constant 32 : index
    %get3A_512 = tpu.vector_load %arg14[%get3A_510, %get3A_511] {strides = array<i32>} : memref<8x256xf32, #tpu.memory_space<vmem>>, vector<16xf32>,
    %add3A_513 = arith.addf %add3A_498, %get3A_512 : vector<16xf32>
    %get3A_514 = arith.constant 6 : i32
    %get3A_515 = arith.index_cast %get3A_514 : i32 to index
    %get3A_516 = arith.constant 80 : index
    %get3A_517 = tpu.vector_load %arg14[%get3A_515, %get3A_516] {strides = array<i32>} : memref<8x256xf32, #tpu.memory_space<vmem>>, vector<16xf32>,
    %add3A_518 = arith.addf %add3A_503, %get3A_517 : vector<16xf32>
    %get3A_519 = arith.constant 6 : i32
    %get3A_520 = arith.index_cast %get3A_519 : i32 to index
    %get3A_521 = arith.constant 128 : index
    %get3A_522 = tpu.vector_load %arg14[%get3A_520, %get3A_521] {strides = array<i32>} : memref<8x256xf32, #tpu.memory_space<vmem>>, vector<16xf32>,
    %add3A_523 = arith.addf %add3A_508, %get3A_522 : vector<16xf32>
    %get3A_524 = arith.constant 7 : i32
    %get3A_525 = arith.index_cast %get3A_524 : i32 to index
    %get3A_526 = arith.constant 32 : index
    %get3A_527 = tpu.vector_load %arg14[%get3A_525, %get3A_526] {strides = array<i32>} : memref<8x256xf32, #tpu.memory_space<vmem>>, vector<16xf32>,
    %add3A_528 = arith.addf %add3A_513, %get3A_527 : vector<16xf32>
    %get3A_529 = arith.constant 7 : i32
    %get3A_530 = arith.index_cast %get3A_529 : i32 to index
    %get3A_531 = arith.constant 80 : index
    %get3A_532 = tpu.vector_load %arg14[%get3A_530, %get3A_531] {strides = array<i32>} : memref<8x256xf32, #tpu.memory_space<vmem>>, vector<16xf32>,
    %add3A_533 = arith.addf %add3A_518, %get3A_532 : vector<16xf32>
    %get3A_534 = arith.constant 7 : i32
    %get3A_535 = arith.index_cast %get3A_534 : i32 to index
    %get3A_536 = arith.constant 128 : index
    %get3A_537 = tpu.vector_load %arg14[%get3A_535, %get3A_536] {strides = array<i32>} : memref<8x256xf32, #tpu.memory_space<vmem>>, vector<16xf32>,
    %add3A_538 = arith.addf %add3A_523, %get3A_537 : vector<16xf32>
    %max3A_539 = arith.constant 1.000000e+00 : f32
    %max3A_540 = vector.broadcast %max3A_539 : f32 to vector<16xf32>
    %max3A_541 = arith.maximumf %add3A_528, %max3A_540 : vector<16xf32>
    %div3A_542 = arith.constant 1.000000e+00 : f32
    %div3A_543 = vector.broadcast %div3A_542 : f32 to vector<16xf32>
    %div3A_544 = arith.divf %div3A_543, %max3A_541 : vector<16xf32>
    %mul3A_545 = arith.mulf %add3A_533, %div3A_544 : vector<16xf32>
    %mul3A_546 = arith.mulf %add3A_538, %div3A_544 : vector<16xf32>
    %swap3A_547 = arith.constant 32 : index
    %swap3A_548 = tpu.vector_load %arg12[%swap3A_547] {strides = array<i32>} : memref<48xf32, #tpu.memory_space<vmem>>, vector<16xf32>,
    tpu.vector_store %arg12[%swap3A_547], %mul3A_545 {strides = array<i32>} : memref<48xf32, #tpu.memory_space<vmem>>, vector<16xf32>,
    %swap3A_549 = arith.constant 32 : index
    %swap3A_550 = tpu.vector_load %arg13[%swap3A_549] {strides = array<i32>} : memref<48xf32, #tpu.memory_space<vmem>>, vector<16xf32>,
    tpu.vector_store %arg13[%swap3A_549], %mul3A_546 {strides = array<i32>} : memref<48xf32, #tpu.memory_space<vmem>>, vector<16xf32>,
    %scan3A_551 = arith.constant 0 : i32
    %scan3A_552 = arith.constant 0 : i32
    %scan3A_553 = arith.constant 72 : i32
    %scan3A_554 = arith.addi %scan3A_552, %scan3A_553 : i32
    %scan3A_555 = arith.constant 1 : i32
    scf.for %scan3A_557 = %scan3A_552 to %scan3A_554 step %scan3A_555  : i32 {
      %mul3A_558 = arith.constant 256 : i32
      %mul3A_559 = arith.muli %scan3A_557, %mul3A_558 : i32
      %add3A_560 = arith.constant 0 : i32
      %add3A_561 = arith.addi %mul3A_559, %add3A_560 : i32
      %get3A_562 = arith.index_cast %add3A_561 : i32 to index
      %get3A_563 = tpu.vector_load %arg6[%get3A_562] {strides = array<i32>} : memref<18432xi32, #tpu.memory_space<vmem>>, vector<16xi32>,
      %gather3A = tpu.vector_load_idx %arg12[%get3A_563] : memref<48xf32, #tpu.memory_space<vmem>>[vector<16xi32>], vector<16xf32>,
      %gather3A_564 = tpu.vector_load_idx %arg13[%get3A_563] : memref<48xf32, #tpu.memory_space<vmem>>[vector<16xi32>], vector<16xf32>,
      %get3A_565 = arith.index_cast %add3A_561 : i32 to index
      %get3A_566 = tpu.vector_load %arg7[%get3A_565] {strides = array<i32>} : memref<18432xf32, #tpu.memory_space<vmem>>, vector<16xf32>,
      %sub3A_567 = arith.subf %gather3A, %get3A_566 : vector<16xf32>
      %get3A_568 = arith.index_cast %add3A_561 : i32 to index
      %get3A_569 = tpu.vector_load %arg8[%get3A_568] {strides = array<i32>} : memref<18432xf32, #tpu.memory_space<vmem>>, vector<16xf32>,
      %sub3A_570 = arith.subf %gather3A_564, %get3A_569 : vector<16xf32>
      %mul3A_571 = arith.mulf %sub3A_567, %sub3A_567 : vector<16xf32>
      %mul3A_572 = arith.mulf %sub3A_570, %sub3A_570 : vector<16xf32>
      %add3A_573 = arith.addf %mul3A_571, %mul3A_572 : vector<16xf32>
      %swap3A_574 = arith.index_cast %add3A_561 : i32 to index
      %swap3A_575 = tpu.vector_load %arg9[%swap3A_574] {strides = array<i32>} : memref<18432xf32, #tpu.memory_space<vmem>>, vector<16xf32>,
      tpu.vector_store %arg9[%swap3A_574], %add3A_573 {strides = array<i32>} : memref<18432xf32, #tpu.memory_space<vmem>>, vector<16xf32>,
      %add3A_576 = arith.constant 16 : i32
      %add3A_577 = arith.addi %mul3A_559, %add3A_576 : i32
      %get3A_578 = arith.index_cast %add3A_577 : i32 to index
      %get3A_579 = tpu.vector_load %arg6[%get3A_578] {strides = array<i32>} : memref<18432xi32, #tpu.memory_space<vmem>>, vector<16xi32>,
      %gather3A_580 = tpu.vector_load_idx %arg12[%get3A_579] : memref<48xf32, #tpu.memory_space<vmem>>[vector<16xi32>], vector<16xf32>,
      %gather3A_581 = tpu.vector_load_idx %arg13[%get3A_579] : memref<48xf32, #tpu.memory_space<vmem>>[vector<16xi32>], vector<16xf32>,
      %get3A_582 = arith.index_cast %add3A_577 : i32 to index
      %get3A_583 = tpu.vector_load %arg7[%get3A_582] {strides = array<i32>} : memref<18432xf32, #tpu.memory_space<vmem>>, vector<16xf32>,
      %sub3A_584 = arith.subf %gather3A_580, %get3A_583 : vector<16xf32>
      %get3A_585 = arith.index_cast %add3A_577 : i32 to index
      %get3A_586 = tpu.vector_load %arg8[%get3A_585] {strides = array<i32>} : memref<18432xf32, #tpu.memory_space<vmem>>, vector<16xf32>,
      %sub3A_587 = arith.subf %gather3A_581, %get3A_586 : vector<16xf32>
      %mul3A_588 = arith.mulf %sub3A_584, %sub3A_584 : vector<16xf32>
      %mul3A_589 = arith.mulf %sub3A_587, %sub3A_587 : vector<16xf32>
      %add3A_590 = arith.addf %mul3A_588, %mul3A_589 : vector<16xf32>
      %swap3A_591 = arith.index_cast %add3A_577 : i32 to index
      %swap3A_592 = tpu.vector_load %arg9[%swap3A_591] {strides = array<i32>} : memref<18432xf32, #tpu.memory_space<vmem>>, vector<16xf32>,
      tpu.vector_store %arg9[%swap3A_591], %add3A_590 {strides = array<i32>} : memref<18432xf32, #tpu.memory_space<vmem>>, vector<16xf32>,
      %add3A_593 = arith.constant 32 : i32
      %add3A_594 = arith.addi %mul3A_559, %add3A_593 : i32
      %get3A_595 = arith.index_cast %add3A_594 : i32 to index
      %get3A_596 = tpu.vector_load %arg6[%get3A_595] {strides = array<i32>} : memref<18432xi32, #tpu.memory_space<vmem>>, vector<16xi32>,
      %gather3A_597 = tpu.vector_load_idx %arg12[%get3A_596] : memref<48xf32, #tpu.memory_space<vmem>>[vector<16xi32>], vector<16xf32>,
      %gather3A_598 = tpu.vector_load_idx %arg13[%get3A_596] : memref<48xf32, #tpu.memory_space<vmem>>[vector<16xi32>], vector<16xf32>,
      %get3A_599 = arith.index_cast %add3A_594 : i32 to index
      %get3A_600 = tpu.vector_load %arg7[%get3A_599] {strides = array<i32>} : memref<18432xf32, #tpu.memory_space<vmem>>, vector<16xf32>,
      %sub3A_601 = arith.subf %gather3A_597, %get3A_600 : vector<16xf32>
      %get3A_602 = arith.index_cast %add3A_594 : i32 to index
      %get3A_603 = tpu.vector_load %arg8[%get3A_602] {strides = array<i32>} : memref<18432xf32, #tpu.memory_space<vmem>>, vector<16xf32>,
      %sub3A_604 = arith.subf %gather3A_598, %get3A_603 : vector<16xf32>
      %mul3A_605 = arith.mulf %sub3A_601, %sub3A_601 : vector<16xf32>
      %mul3A_606 = arith.mulf %sub3A_604, %sub3A_604 : vector<16xf32>
      %add3A_607 = arith.addf %mul3A_605, %mul3A_606 : vector<16xf32>
      %swap3A_608 = arith.index_cast %add3A_594 : i32 to index
      %swap3A_609 = tpu.vector_load %arg9[%swap3A_608] {strides = array<i32>} : memref<18432xf32, #tpu.memory_space<vmem>>, vector<16xf32>,
      tpu.vector_store %arg9[%swap3A_608], %add3A_607 {strides = array<i32>} : memref<18432xf32, #tpu.memory_space<vmem>>, vector<16xf32>,
      %add3A_610 = arith.constant 48 : i32
      %add3A_611 = arith.addi %mul3A_559, %add3A_610 : i32
      %get3A_612 = arith.index_cast %add3A_611 : i32 to index
      %get3A_613 = tpu.vector_load %arg6[%get3A_612] {strides = array<i32>} : memref<18432xi32, #tpu.memory_space<vmem>>, vector<16xi32>,
      %gather3A_614 = tpu.vector_load_idx %arg12[%get3A_613] : memref<48xf32, #tpu.memory_space<vmem>>[vector<16xi32>], vector<16xf32>,
      %gather3A_615 = tpu.vector_load_idx %arg13[%get3A_613] : memref<48xf32, #tpu.memory_space<vmem>>[vector<16xi32>], vector<16xf32>,
      %get3A_616 = arith.index_cast %add3A_611 : i32 to index
      %get3A_617 = tpu.vector_load %arg7[%get3A_616] {strides = array<i32>} : memref<18432xf32, #tpu.memory_space<vmem>>, vector<16xf32>,
      %sub3A_618 = arith.subf %gather3A_614, %get3A_617 : vector<16xf32>
      %get3A_619 = arith.index_cast %add3A_611 : i32 to index
      %get3A_620 = tpu.vector_load %arg8[%get3A_619] {strides = array<i32>} : memref<18432xf32, #tpu.memory_space<vmem>>, vector<16xf32>,
      %sub3A_621 = arith.subf %gather3A_615, %get3A_620 : vector<16xf32>
      %mul3A_622 = arith.mulf %sub3A_618, %sub3A_618 : vector<16xf32>
      %mul3A_623 = arith.mulf %sub3A_621, %sub3A_621 : vector<16xf32>
      %add3A_624 = arith.addf %mul3A_622, %mul3A_623 : vector<16xf32>
      %swap3A_625 = arith.index_cast %add3A_611 : i32 to index
      %swap3A_626 = tpu.vector_load %arg9[%swap3A_625] {strides = array<i32>} : memref<18432xf32, #tpu.memory_space<vmem>>, vector<16xf32>,
      tpu.vector_store %arg9[%swap3A_625], %add3A_624 {strides = array<i32>} : memref<18432xf32, #tpu.memory_space<vmem>>, vector<16xf32>,
      %add3A_627 = arith.constant 64 : i32
      %add3A_628 = arith.addi %mul3A_559, %add3A_627 : i32
      %get3A_629 = arith.index_cast %add3A_628 : i32 to index
      %get3A_630 = tpu.vector_load %arg6[%get3A_629] {strides = array<i32>} : memref<18432xi32, #tpu.memory_space<vmem>>, vector<16xi32>,
      %gather3A_631 = tpu.vector_load_idx %arg12[%get3A_630] : memref<48xf32, #tpu.memory_space<vmem>>[vector<16xi32>], vector<16xf32>,
      %gather3A_632 = tpu.vector_load_idx %arg13[%get3A_630] : memref<48xf32, #tpu.memory_space<vmem>>[vector<16xi32>], vector<16xf32>,
      %get3A_633 = arith.index_cast %add3A_628 : i32 to index
      %get3A_634 = tpu.vector_load %arg7[%get3A_633] {strides = array<i32>} : memref<18432xf32, #tpu.memory_space<vmem>>, vector<16xf32>,
      %sub3A_635 = arith.subf %gather3A_631, %get3A_634 : vector<16xf32>
      %get3A_636 = arith.index_cast %add3A_628 : i32 to index
      %get3A_637 = tpu.vector_load %arg8[%get3A_636] {strides = array<i32>} : memref<18432xf32, #tpu.memory_space<vmem>>, vector<16xf32>,
      %sub3A_638 = arith.subf %gather3A_632, %get3A_637 : vector<16xf32>
      %mul3A_639 = arith.mulf %sub3A_635, %sub3A_635 : vector<16xf32>
      %mul3A_640 = arith.mulf %sub3A_638, %sub3A_638 : vector<16xf32>
      %add3A_641 = arith.addf %mul3A_639, %mul3A_640 : vector<16xf32>
      %swap3A_642 = arith.index_cast %add3A_628 : i32 to index
      %swap3A_643 = tpu.vector_load %arg9[%swap3A_642] {strides = array<i32>} : memref<18432xf32, #tpu.memory_space<vmem>>, vector<16xf32>,
      tpu.vector_store %arg9[%swap3A_642], %add3A_641 {strides = array<i32>} : memref<18432xf32, #tpu.memory_space<vmem>>, vector<16xf32>,
      %add3A_644 = arith.constant 80 : i32
      %add3A_645 = arith.addi %mul3A_559, %add3A_644 : i32
      %get3A_646 = arith.index_cast %add3A_645 : i32 to index
      %get3A_647 = tpu.vector_load %arg6[%get3A_646] {strides = array<i32>} : memref<18432xi32, #tpu.memory_space<vmem>>, vector<16xi32>,
      %gather3A_648 = tpu.vector_load_idx %arg12[%get3A_647] : memref<48xf32, #tpu.memory_space<vmem>>[vector<16xi32>], vector<16xf32>,
      %gather3A_649 = tpu.vector_load_idx %arg13[%get3A_647] : memref<48xf32, #tpu.memory_space<vmem>>[vector<16xi32>], vector<16xf32>,
      %get3A_650 = arith.index_cast %add3A_645 : i32 to index
      %get3A_651 = tpu.vector_load %arg7[%get3A_650] {strides = array<i32>} : memref<18432xf32, #tpu.memory_space<vmem>>, vector<16xf32>,
      %sub3A_652 = arith.subf %gather3A_648, %get3A_651 : vector<16xf32>
      %get3A_653 = arith.index_cast %add3A_645 : i32 to index
      %get3A_654 = tpu.vector_load %arg8[%get3A_653] {strides = array<i32>} : memref<18432xf32, #tpu.memory_space<vmem>>, vector<16xf32>,
      %sub3A_655 = arith.subf %gather3A_649, %get3A_654 : vector<16xf32>
      %mul3A_656 = arith.mulf %sub3A_652, %sub3A_652 : vector<16xf32>
      %mul3A_657 = arith.mulf %sub3A_655, %sub3A_655 : vector<16xf32>
      %add3A_658 = arith.addf %mul3A_656, %mul3A_657 : vector<16xf32>
      %swap3A_659 = arith.index_cast %add3A_645 : i32 to index
      %swap3A_660 = tpu.vector_load %arg9[%swap3A_659] {strides = array<i32>} : memref<18432xf32, #tpu.memory_space<vmem>>, vector<16xf32>,
      tpu.vector_store %arg9[%swap3A_659], %add3A_658 {strides = array<i32>} : memref<18432xf32, #tpu.memory_space<vmem>>, vector<16xf32>,
      %add3A_661 = arith.constant 96 : i32
      %add3A_662 = arith.addi %mul3A_559, %add3A_661 : i32
      %get3A_663 = arith.index_cast %add3A_662 : i32 to index
      %get3A_664 = tpu.vector_load %arg6[%get3A_663] {strides = array<i32>} : memref<18432xi32, #tpu.memory_space<vmem>>, vector<16xi32>,
      %gather3A_665 = tpu.vector_load_idx %arg12[%get3A_664] : memref<48xf32, #tpu.memory_space<vmem>>[vector<16xi32>], vector<16xf32>,
      %gather3A_666 = tpu.vector_load_idx %arg13[%get3A_664] : memref<48xf32, #tpu.memory_space<vmem>>[vector<16xi32>], vector<16xf32>,
      %get3A_667 = arith.index_cast %add3A_662 : i32 to index
      %get3A_668 = tpu.vector_load %arg7[%get3A_667] {strides = array<i32>} : memref<18432xf32, #tpu.memory_space<vmem>>, vector<16xf32>,
      %sub3A_669 = arith.subf %gather3A_665, %get3A_668 : vector<16xf32>
      %get3A_670 = arith.index_cast %add3A_662 : i32 to index
      %get3A_671 = tpu.vector_load %arg8[%get3A_670] {strides = array<i32>} : memref<18432xf32, #tpu.memory_space<vmem>>, vector<16xf32>,
      %sub3A_672 = arith.subf %gather3A_666, %get3A_671 : vector<16xf32>
      %mul3A_673 = arith.mulf %sub3A_669, %sub3A_669 : vector<16xf32>
      %mul3A_674 = arith.mulf %sub3A_672, %sub3A_672 : vector<16xf32>
      %add3A_675 = arith.addf %mul3A_673, %mul3A_674 : vector<16xf32>
      %swap3A_676 = arith.index_cast %add3A_662 : i32 to index
      %swap3A_677 = tpu.vector_load %arg9[%swap3A_676] {strides = array<i32>} : memref<18432xf32, #tpu.memory_space<vmem>>, vector<16xf32>,
      tpu.vector_store %arg9[%swap3A_676], %add3A_675 {strides = array<i32>} : memref<18432xf32, #tpu.memory_space<vmem>>, vector<16xf32>,
      %add3A_678 = arith.constant 112 : i32
      %add3A_679 = arith.addi %mul3A_559, %add3A_678 : i32
      %get3A_680 = arith.index_cast %add3A_679 : i32 to index
      %get3A_681 = tpu.vector_load %arg6[%get3A_680] {strides = array<i32>} : memref<18432xi32, #tpu.memory_space<vmem>>, vector<16xi32>,
      %gather3A_682 = tpu.vector_load_idx %arg12[%get3A_681] : memref<48xf32, #tpu.memory_space<vmem>>[vector<16xi32>], vector<16xf32>,
      %gather3A_683 = tpu.vector_load_idx %arg13[%get3A_681] : memref<48xf32, #tpu.memory_space<vmem>>[vector<16xi32>], vector<16xf32>,
      %get3A_684 = arith.index_cast %add3A_679 : i32 to index
      %get3A_685 = tpu.vector_load %arg7[%get3A_684] {strides = array<i32>} : memref<18432xf32, #tpu.memory_space<vmem>>, vector<16xf32>,
      %sub3A_686 = arith.subf %gather3A_682, %get3A_685 : vector<16xf32>
      %get3A_687 = arith.index_cast %add3A_679 : i32 to index
      %get3A_688 = tpu.vector_load %arg8[%get3A_687] {strides = array<i32>} : memref<18432xf32, #tpu.memory_space<vmem>>, vector<16xf32>,
      %sub3A_689 = arith.subf %gather3A_683, %get3A_688 : vector<16xf32>
      %mul3A_690 = arith.mulf %sub3A_686, %sub3A_686 : vector<16xf32>
      %mul3A_691 = arith.mulf %sub3A_689, %sub3A_689 : vector<16xf32>
      %add3A_692 = arith.addf %mul3A_690, %mul3A_691 : vector<16xf32>
      %swap3A_693 = arith.index_cast %add3A_679 : i32 to index
      %swap3A_694 = tpu.vector_load %arg9[%swap3A_693] {strides = array<i32>} : memref<18432xf32, #tpu.memory_space<vmem>>, vector<16xf32>,
      tpu.vector_store %arg9[%swap3A_693], %add3A_692 {strides = array<i32>} : memref<18432xf32, #tpu.memory_space<vmem>>, vector<16xf32>,
      %add3A_695 = arith.constant 128 : i32
      %add3A_696 = arith.addi %mul3A_559, %add3A_695 : i32
      %get3A_697 = arith.index_cast %add3A_696 : i32 to index
      %get3A_698 = tpu.vector_load %arg6[%get3A_697] {strides = array<i32>} : memref<18432xi32, #tpu.memory_space<vmem>>, vector<16xi32>,
      %gather3A_699 = tpu.vector_load_idx %arg12[%get3A_698] : memref<48xf32, #tpu.memory_space<vmem>>[vector<16xi32>], vector<16xf32>,
      %gather3A_700 = tpu.vector_load_idx %arg13[%get3A_698] : memref<48xf32, #tpu.memory_space<vmem>>[vector<16xi32>], vector<16xf32>,
      %get3A_701 = arith.index_cast %add3A_696 : i32 to index
      %get3A_702 = tpu.vector_load %arg7[%get3A_701] {strides = array<i32>} : memref<18432xf32, #tpu.memory_space<vmem>>, vector<16xf32>,
      %sub3A_703 = arith.subf %gather3A_699, %get3A_702 : vector<16xf32>
      %get3A_704 = arith.index_cast %add3A_696 : i32 to index
      %get3A_705 = tpu.vector_load %arg8[%get3A_704] {strides = array<i32>} : memref<18432xf32, #tpu.memory_space<vmem>>, vector<16xf32>,
      %sub3A_706 = arith.subf %gather3A_700, %get3A_705 : vector<16xf32>
      %mul3A_707 = arith.mulf %sub3A_703, %sub3A_703 : vector<16xf32>
      %mul3A_708 = arith.mulf %sub3A_706, %sub3A_706 : vector<16xf32>
      %add3A_709 = arith.addf %mul3A_707, %mul3A_708 : vector<16xf32>
      %swap3A_710 = arith.index_cast %add3A_696 : i32 to index
      %swap3A_711 = tpu.vector_load %arg9[%swap3A_710] {strides = array<i32>} : memref<18432xf32, #tpu.memory_space<vmem>>, vector<16xf32>,
      tpu.vector_store %arg9[%swap3A_710], %add3A_709 {strides = array<i32>} : memref<18432xf32, #tpu.memory_space<vmem>>, vector<16xf32>,
      %add3A_712 = arith.constant 144 : i32
      %add3A_713 = arith.addi %mul3A_559, %add3A_712 : i32
      %get3A_714 = arith.index_cast %add3A_713 : i32 to index
      %get3A_715 = tpu.vector_load %arg6[%get3A_714] {strides = array<i32>} : memref<18432xi32, #tpu.memory_space<vmem>>, vector<16xi32>,
      %gather3A_716 = tpu.vector_load_idx %arg12[%get3A_715] : memref<48xf32, #tpu.memory_space<vmem>>[vector<16xi32>], vector<16xf32>,
      %gather3A_717 = tpu.vector_load_idx %arg13[%get3A_715] : memref<48xf32, #tpu.memory_space<vmem>>[vector<16xi32>], vector<16xf32>,
      %get3A_718 = arith.index_cast %add3A_713 : i32 to index
      %get3A_719 = tpu.vector_load %arg7[%get3A_718] {strides = array<i32>} : memref<18432xf32, #tpu.memory_space<vmem>>, vector<16xf32>,
      %sub3A_720 = arith.subf %gather3A_716, %get3A_719 : vector<16xf32>
      %get3A_721 = arith.index_cast %add3A_713 : i32 to index
      %get3A_722 = tpu.vector_load %arg8[%get3A_721] {strides = array<i32>} : memref<18432xf32, #tpu.memory_space<vmem>>, vector<16xf32>,
      %sub3A_723 = arith.subf %gather3A_717, %get3A_722 : vector<16xf32>
      %mul3A_724 = arith.mulf %sub3A_720, %sub3A_720 : vector<16xf32>
      %mul3A_725 = arith.mulf %sub3A_723, %sub3A_723 : vector<16xf32>
      %add3A_726 = arith.addf %mul3A_724, %mul3A_725 : vector<16xf32>
      %swap3A_727 = arith.index_cast %add3A_713 : i32 to index
      %swap3A_728 = tpu.vector_load %arg9[%swap3A_727] {strides = array<i32>} : memref<18432xf32, #tpu.memory_space<vmem>>, vector<16xf32>,
      tpu.vector_store %arg9[%swap3A_727], %add3A_726 {strides = array<i32>} : memref<18432xf32, #tpu.memory_space<vmem>>, vector<16xf32>,
      %add3A_729 = arith.constant 160 : i32
      %add3A_730 = arith.addi %mul3A_559, %add3A_729 : i32
      %get3A_731 = arith.index_cast %add3A_730 : i32 to index
      %get3A_732 = tpu.vector_load %arg6[%get3A_731] {strides = array<i32>} : memref<18432xi32, #tpu.memory_space<vmem>>, vector<16xi32>,
      %gather3A_733 = tpu.vector_load_idx %arg12[%get3A_732] : memref<48xf32, #tpu.memory_space<vmem>>[vector<16xi32>], vector<16xf32>,
      %gather3A_734 = tpu.vector_load_idx %arg13[%get3A_732] : memref<48xf32, #tpu.memory_space<vmem>>[vector<16xi32>], vector<16xf32>,
      %get3A_735 = arith.index_cast %add3A_730 : i32 to index
      %get3A_736 = tpu.vector_load %arg7[%get3A_735] {strides = array<i32>} : memref<18432xf32, #tpu.memory_space<vmem>>, vector<16xf32>,
      %sub3A_737 = arith.subf %gather3A_733, %get3A_736 : vector<16xf32>
      %get3A_738 = arith.index_cast %add3A_730 : i32 to index
      %get3A_739 = tpu.vector_load %arg8[%get3A_738] {strides = array<i32>} : memref<18432xf32, #tpu.memory_space<vmem>>, vector<16xf32>,
      %sub3A_740 = arith.subf %gather3A_734, %get3A_739 : vector<16xf32>
      %mul3A_741 = arith.mulf %sub3A_737, %sub3A_737 : vector<16xf32>
      %mul3A_742 = arith.mulf %sub3A_740, %sub3A_740 : vector<16xf32>
      %add3A_743 = arith.addf %mul3A_741, %mul3A_742 : vector<16xf32>
      %swap3A_744 = arith.index_cast %add3A_730 : i32 to index
      %swap3A_745 = tpu.vector_load %arg9[%swap3A_744] {strides = array<i32>} : memref<18432xf32, #tpu.memory_space<vmem>>, vector<16xf32>,
      tpu.vector_store %arg9[%swap3A_744], %add3A_743 {strides = array<i32>} : memref<18432xf32, #tpu.memory_space<vmem>>, vector<16xf32>,
      %add3A_746 = arith.constant 176 : i32
      %add3A_747 = arith.addi %mul3A_559, %add3A_746 : i32
      %get3A_748 = arith.index_cast %add3A_747 : i32 to index
      %get3A_749 = tpu.vector_load %arg6[%get3A_748] {strides = array<i32>} : memref<18432xi32, #tpu.memory_space<vmem>>, vector<16xi32>,
      %gather3A_750 = tpu.vector_load_idx %arg12[%get3A_749] : memref<48xf32, #tpu.memory_space<vmem>>[vector<16xi32>], vector<16xf32>,
      %gather3A_751 = tpu.vector_load_idx %arg13[%get3A_749] : memref<48xf32, #tpu.memory_space<vmem>>[vector<16xi32>], vector<16xf32>,
      %get3A_752 = arith.index_cast %add3A_747 : i32 to index
      %get3A_753 = tpu.vector_load %arg7[%get3A_752] {strides = array<i32>} : memref<18432xf32, #tpu.memory_space<vmem>>, vector<16xf32>,
      %sub3A_754 = arith.subf %gather3A_750, %get3A_753 : vector<16xf32>
      %get3A_755 = arith.index_cast %add3A_747 : i32 to index
      %get3A_756 = tpu.vector_load %arg8[%get3A_755] {strides = array<i32>} : memref<18432xf32, #tpu.memory_space<vmem>>, vector<16xf32>,
      %sub3A_757 = arith.subf %gather3A_751, %get3A_756 : vector<16xf32>
      %mul3A_758 = arith.mulf %sub3A_754, %sub3A_754 : vector<16xf32>
      %mul3A_759 = arith.mulf %sub3A_757, %sub3A_757 : vector<16xf32>
      %add3A_760 = arith.addf %mul3A_758, %mul3A_759 : vector<16xf32>
      %swap3A_761 = arith.index_cast %add3A_747 : i32 to index
      %swap3A_762 = tpu.vector_load %arg9[%swap3A_761] {strides = array<i32>} : memref<18432xf32, #tpu.memory_space<vmem>>, vector<16xf32>,
      tpu.vector_store %arg9[%swap3A_761], %add3A_760 {strides = array<i32>} : memref<18432xf32, #tpu.memory_space<vmem>>, vector<16xf32>,
      %add3A_763 = arith.constant 192 : i32
      %add3A_764 = arith.addi %mul3A_559, %add3A_763 : i32
      %get3A_765 = arith.index_cast %add3A_764 : i32 to index
      %get3A_766 = tpu.vector_load %arg6[%get3A_765] {strides = array<i32>} : memref<18432xi32, #tpu.memory_space<vmem>>, vector<16xi32>,
      %gather3A_767 = tpu.vector_load_idx %arg12[%get3A_766] : memref<48xf32, #tpu.memory_space<vmem>>[vector<16xi32>], vector<16xf32>,
      %gather3A_768 = tpu.vector_load_idx %arg13[%get3A_766] : memref<48xf32, #tpu.memory_space<vmem>>[vector<16xi32>], vector<16xf32>,
      %get3A_769 = arith.index_cast %add3A_764 : i32 to index
      %get3A_770 = tpu.vector_load %arg7[%get3A_769] {strides = array<i32>} : memref<18432xf32, #tpu.memory_space<vmem>>, vector<16xf32>,
      %sub3A_771 = arith.subf %gather3A_767, %get3A_770 : vector<16xf32>
      %get3A_772 = arith.index_cast %add3A_764 : i32 to index
      %get3A_773 = tpu.vector_load %arg8[%get3A_772] {strides = array<i32>} : memref<18432xf32, #tpu.memory_space<vmem>>, vector<16xf32>,
      %sub3A_774 = arith.subf %gather3A_768, %get3A_773 : vector<16xf32>
      %mul3A_775 = arith.mulf %sub3A_771, %sub3A_771 : vector<16xf32>
      %mul3A_776 = arith.mulf %sub3A_774, %sub3A_774 : vector<16xf32>
      %add3A_777 = arith.addf %mul3A_775, %mul3A_776 : vector<16xf32>
      %swap3A_778 = arith.index_cast %add3A_764 : i32 to index
      %swap3A_779 = tpu.vector_load %arg9[%swap3A_778] {strides = array<i32>} : memref<18432xf32, #tpu.memory_space<vmem>>, vector<16xf32>,
      tpu.vector_store %arg9[%swap3A_778], %add3A_777 {strides = array<i32>} : memref<18432xf32, #tpu.memory_space<vmem>>, vector<16xf32>,
      %add3A_780 = arith.constant 208 : i32
      %add3A_781 = arith.addi %mul3A_559, %add3A_780 : i32
      %get3A_782 = arith.index_cast %add3A_781 : i32 to index
      %get3A_783 = tpu.vector_load %arg6[%get3A_782] {strides = array<i32>} : memref<18432xi32, #tpu.memory_space<vmem>>, vector<16xi32>,
      %gather3A_784 = tpu.vector_load_idx %arg12[%get3A_783] : memref<48xf32, #tpu.memory_space<vmem>>[vector<16xi32>], vector<16xf32>,
      %gather3A_785 = tpu.vector_load_idx %arg13[%get3A_783] : memref<48xf32, #tpu.memory_space<vmem>>[vector<16xi32>], vector<16xf32>,
      %get3A_786 = arith.index_cast %add3A_781 : i32 to index
      %get3A_787 = tpu.vector_load %arg7[%get3A_786] {strides = array<i32>} : memref<18432xf32, #tpu.memory_space<vmem>>, vector<16xf32>,
      %sub3A_788 = arith.subf %gather3A_784, %get3A_787 : vector<16xf32>
      %get3A_789 = arith.index_cast %add3A_781 : i32 to index
      %get3A_790 = tpu.vector_load %arg8[%get3A_789] {strides = array<i32>} : memref<18432xf32, #tpu.memory_space<vmem>>, vector<16xf32>,
      %sub3A_791 = arith.subf %gather3A_785, %get3A_790 : vector<16xf32>
      %mul3A_792 = arith.mulf %sub3A_788, %sub3A_788 : vector<16xf32>
      %mul3A_793 = arith.mulf %sub3A_791, %sub3A_791 : vector<16xf32>
      %add3A_794 = arith.addf %mul3A_792, %mul3A_793 : vector<16xf32>
      %swap3A_795 = arith.index_cast %add3A_781 : i32 to index
      %swap3A_796 = tpu.vector_load %arg9[%swap3A_795] {strides = array<i32>} : memref<18432xf32, #tpu.memory_space<vmem>>, vector<16xf32>,
      tpu.vector_store %arg9[%swap3A_795], %add3A_794 {strides = array<i32>} : memref<18432xf32, #tpu.memory_space<vmem>>, vector<16xf32>,
      %add3A_797 = arith.constant 224 : i32
      %add3A_798 = arith.addi %mul3A_559, %add3A_797 : i32
      %get3A_799 = arith.index_cast %add3A_798 : i32 to index
      %get3A_800 = tpu.vector_load %arg6[%get3A_799] {strides = array<i32>} : memref<18432xi32, #tpu.memory_space<vmem>>, vector<16xi32>,
      %gather3A_801 = tpu.vector_load_idx %arg12[%get3A_800] : memref<48xf32, #tpu.memory_space<vmem>>[vector<16xi32>], vector<16xf32>,
      %gather3A_802 = tpu.vector_load_idx %arg13[%get3A_800] : memref<48xf32, #tpu.memory_space<vmem>>[vector<16xi32>], vector<16xf32>,
      %get3A_803 = arith.index_cast %add3A_798 : i32 to index
      %get3A_804 = tpu.vector_load %arg7[%get3A_803] {strides = array<i32>} : memref<18432xf32, #tpu.memory_space<vmem>>, vector<16xf32>,
      %sub3A_805 = arith.subf %gather3A_801, %get3A_804 : vector<16xf32>
      %get3A_806 = arith.index_cast %add3A_798 : i32 to index
      %get3A_807 = tpu.vector_load %arg8[%get3A_806] {strides = array<i32>} : memref<18432xf32, #tpu.memory_space<vmem>>, vector<16xf32>,
      %sub3A_808 = arith.subf %gather3A_802, %get3A_807 : vector<16xf32>
      %mul3A_809 = arith.mulf %sub3A_805, %sub3A_805 : vector<16xf32>
      %mul3A_810 = arith.mulf %sub3A_808, %sub3A_808 : vector<16xf32>
      %add3A_811 = arith.addf %mul3A_809, %mul3A_810 : vector<16xf32>
      %swap3A_812 = arith.index_cast %add3A_798 : i32 to index
      %swap3A_813 = tpu.vector_load %arg9[%swap3A_812] {strides = array<i32>} : memref<18432xf32, #tpu.memory_space<vmem>>, vector<16xf32>,
      tpu.vector_store %arg9[%swap3A_812], %add3A_811 {strides = array<i32>} : memref<18432xf32, #tpu.memory_space<vmem>>, vector<16xf32>,
      %add3A_814 = arith.constant 240 : i32
      %add3A_815 = arith.addi %mul3A_559, %add3A_814 : i32
      %get3A_816 = arith.index_cast %add3A_815 : i32 to index
      %get3A_817 = tpu.vector_load %arg6[%get3A_816] {strides = array<i32>} : memref<18432xi32, #tpu.memory_space<vmem>>, vector<16xi32>,
      %gather3A_818 = tpu.vector_load_idx %arg12[%get3A_817] : memref<48xf32, #tpu.memory_space<vmem>>[vector<16xi32>], vector<16xf32>,
      %gather3A_819 = tpu.vector_load_idx %arg13[%get3A_817] : memref<48xf32, #tpu.memory_space<vmem>>[vector<16xi32>], vector<16xf32>,
      %get3A_820 = arith.index_cast %add3A_815 : i32 to index
      %get3A_821 = tpu.vector_load %arg7[%get3A_820] {strides = array<i32>} : memref<18432xf32, #tpu.memory_space<vmem>>, vector<16xf32>,
      %sub3A_822 = arith.subf %gather3A_818, %get3A_821 : vector<16xf32>
      %get3A_823 = arith.index_cast %add3A_815 : i32 to index
      %get3A_824 = tpu.vector_load %arg8[%get3A_823] {strides = array<i32>} : memref<18432xf32, #tpu.memory_space<vmem>>, vector<16xf32>,
      %sub3A_825 = arith.subf %gather3A_819, %get3A_824 : vector<16xf32>
      %mul3A_826 = arith.mulf %sub3A_822, %sub3A_822 : vector<16xf32>
      %mul3A_827 = arith.mulf %sub3A_825, %sub3A_825 : vector<16xf32>
      %add3A_828 = arith.addf %mul3A_826, %mul3A_827 : vector<16xf32>
      %swap3A_829 = arith.index_cast %add3A_815 : i32 to index
      %swap3A_830 = tpu.vector_load %arg9[%swap3A_829] {strides = array<i32>} : memref<18432xf32, #tpu.memory_space<vmem>>, vector<16xf32>,
      tpu.vector_store %arg9[%swap3A_829], %add3A_828 {strides = array<i32>} : memref<18432xf32, #tpu.memory_space<vmem>>, vector<16xf32>,
    }
    %scan3A_556 = arith.constant 72 : i32
    "tpu.region"() ({
      %run_scoped3A = tpu.sem_alloc : memref<!tpu.dma_semaphore, #tpu.memory_space<semaphore_mem>>
      %dma_start3A_557 = tpu.memref_slice %arg5[%add3A_35] : memref<589824xf32, #tpu.memory_space<hbm>> -> memref<18432xf32, #tpu.memory_space<hbm>>
      %dma_start3A_558 = tpu.memref_slice %arg5[%add3A_35] : memref<589824xf32, #tpu.memory_space<hbm>> -> memref<18432xf32, #tpu.memory_space<hbm>>
      tpu.enqueue_dma source(%arg9 : memref<18432xf32, #tpu.memory_space<vmem>>) target(%dma_start3A_558 : memref<18432xf32, #tpu.memory_space<hbm>>) target_semaphore(%run_scoped3A : memref<!tpu.dma_semaphore, #tpu.memory_space<semaphore_mem>>)
      %dma_wait3A_559 = tpu.memref_slice %arg5[%add3A_35] : memref<589824xf32, #tpu.memory_space<hbm>> -> memref<18432xf32, #tpu.memory_space<hbm>>
      %dma_wait3A_560 = tpu.memref_slice %arg5[%add3A_35] : memref<589824xf32, #tpu.memory_space<hbm>> -> memref<18432xf32, #tpu.memory_space<hbm>>
      tpu.wait_dma2 semaphore(%run_scoped3A : memref<!tpu.dma_semaphore, #tpu.memory_space<semaphore_mem>>) src(%arg9 : memref<18432xf32, #tpu.memory_space<vmem>>) dst(%dma_wait3A_560 : memref<18432xf32, #tpu.memory_space<hbm>>)
      tpu.yield
    }) : () -> ()
    return
  }
}

module attributes {stable_mosaic.version = 14 : i64} {
  func.func @_dense_kernel(%arg0: i32, %arg1: i32, %arg2: memref<1x96x384xf32, #tpu.memory_space<vmem>>, %arg3: memref<1x96x384xf32, #tpu.memory_space<vmem>>, %arg4: memref<1x96x384xf32, #tpu.memory_space<vmem>>, %arg5: memref<1x96x384xf32, #tpu.memory_space<vmem>>, %arg6: memref<1x96x384xf32, #tpu.memory_space<vmem>>, %arg7: memref<1x96x384xf32, #tpu.memory_space<vmem>>, %arg8: memref<1x96x384xi32, #tpu.memory_space<vmem>>, %arg9: memref<1x96x384xf32, #tpu.memory_space<vmem>>) attributes {dimension_semantics = [#tpu.dimension_semantics<arbitrary>, #tpu.dimension_semantics<arbitrary>], iteration_bounds = array<i64: 4, 4>, scalar_prefetch = 0 : i64, scratch_operands = 0 : i64, tpu.core_type = #tpu.core_type<tc>, window_params = [{transform_indices = @transform_0, window_bounds = array<i64: 1, 96, 384>}, {transform_indices = @transform_1, window_bounds = array<i64: 1, 96, 384>}, {transform_indices = @transform_2, window_bounds = array<i64: 1, 96, 384>}, {transform_indices = @transform_3, window_bounds = array<i64: 1, 96, 384>}, {transform_indices = @transform_4, window_bounds = array<i64: 1, 96, 384>}, {transform_indices = @transform_5, window_bounds = array<i64: 1, 96, 384>}, {transform_indices = @transform_6, window_bounds = array<i64: 1, 96, 384>}, {transform_indices = @transform_7, window_bounds = array<i64: 1, 96, 384>}]} {
    %get3A = arith.constant 0 : index
    %get3A_0 = arith.constant 0 : index
    %get3A_1 = arith.constant 0 : index
    %get3A_2 = vector.load %arg2[%get3A, %get3A_0, %get3A_1] : memref<1x96x384xf32, #tpu.memory_space<vmem>>, vector<1x96x384xf32>
    %get3A_3 = vector.shape_cast %get3A_2 : vector<1x96x384xf32> to vector<96x384xf32>
    %get3A_4 = arith.constant 0 : index
    %get3A_5 = arith.constant 0 : index
    %get3A_6 = arith.constant 0 : index
    %get3A_7 = vector.load %arg3[%get3A_4, %get3A_5, %get3A_6] : memref<1x96x384xf32, #tpu.memory_space<vmem>>, vector<1x96x384xf32>
    %get3A_8 = vector.shape_cast %get3A_7 : vector<1x96x384xf32> to vector<96x384xf32>
    %sub3A = arith.subf %get3A_3, %get3A_8 : vector<96x384xf32>
    %square3A = arith.mulf %sub3A, %sub3A : vector<96x384xf32>
    %get3A_9 = arith.constant 0 : index
    %get3A_10 = arith.constant 0 : index
    %get3A_11 = arith.constant 0 : index
    %get3A_12 = vector.load %arg8[%get3A_9, %get3A_10, %get3A_11] : memref<1x96x384xi32, #tpu.memory_space<vmem>>, vector<1x96x384xi32>
    %get3A_13 = vector.shape_cast %get3A_12 : vector<1x96x384xi32> to vector<96x384xi32>
    %get3A_14 = arith.constant 0 : index
    %get3A_15 = arith.constant 0 : index
    %get3A_16 = arith.constant 0 : index
    %get3A_17 = vector.load %arg4[%get3A_14, %get3A_15, %get3A_16] : memref<1x96x384xf32, #tpu.memory_space<vmem>>, vector<1x96x384xf32>
    %get3A_18 = vector.shape_cast %get3A_17 : vector<1x96x384xf32> to vector<96x384xf32>
    %get3A_19 = arith.constant 0 : index
    %get3A_20 = arith.constant 0 : index
    %get3A_21 = arith.constant 0 : index
    %get3A_22 = vector.load %arg5[%get3A_19, %get3A_20, %get3A_21] : memref<1x96x384xf32, #tpu.memory_space<vmem>>, vector<1x96x384xf32>
    %get3A_23 = vector.shape_cast %get3A_22 : vector<1x96x384xf32> to vector<96x384xf32>
    %get3A_24 = arith.constant 0 : index
    %get3A_25 = arith.constant 0 : index
    %get3A_26 = arith.constant 0 : index
    %get3A_27 = vector.load %arg6[%get3A_24, %get3A_25, %get3A_26] : memref<1x96x384xf32, #tpu.memory_space<vmem>>, vector<1x96x384xf32>
    %get3A_28 = vector.shape_cast %get3A_27 : vector<1x96x384xf32> to vector<96x384xf32>
    %get3A_29 = arith.constant 0 : index
    %get3A_30 = arith.constant 0 : index
    %get3A_31 = arith.constant 0 : index
    %get3A_32 = vector.load %arg7[%get3A_29, %get3A_30, %get3A_31] : memref<1x96x384xf32, #tpu.memory_space<vmem>>, vector<1x96x384xf32>
    %get3A_33 = vector.shape_cast %get3A_32 : vector<1x96x384xf32> to vector<96x384xf32>
    %add3A = arith.addf %get3A_18, %get3A_23 : vector<96x384xf32>
    %add3A_34 = arith.addf %add3A, %get3A_28 : vector<96x384xf32>
    %add3A_35 = arith.addf %add3A_34, %get3A_33 : vector<96x384xf32>
    %eq3A = arith.constant 1 : i32
    %eq3A_36 = vector.broadcast %eq3A : i32 to vector<96x384xi32>
    %eq3A_37 = arith.cmpi eq, %get3A_13, %eq3A_36 : vector<96x384xi32>
    %select_n3A = arith.select %eq3A_37, %get3A_23, %get3A_18 : vector<96x384xi1>, vector<96x384xf32>
    %eq3A_38 = arith.constant 2 : i32
    %eq3A_39 = vector.broadcast %eq3A_38 : i32 to vector<96x384xi32>
    %eq3A_40 = arith.cmpi eq, %get3A_13, %eq3A_39 : vector<96x384xi32>
    %select_n3A_41 = arith.select %eq3A_40, %get3A_28, %select_n3A : vector<96x384xi1>, vector<96x384xf32>
    %eq3A_42 = arith.constant 3 : i32
    %eq3A_43 = vector.broadcast %eq3A_42 : i32 to vector<96x384xi32>
    %eq3A_44 = arith.cmpi eq, %get3A_13, %eq3A_43 : vector<96x384xi32>
    %select_n3A_45 = arith.select %eq3A_44, %get3A_33, %select_n3A_41 : vector<96x384xi1>, vector<96x384xf32>
    %div3A = arith.divf %select_n3A_45, %add3A_35 : vector<96x384xf32>
    %jit3A = arith.constant 1.000000e-07 : f32
    %jit3A_46 = arith.constant 0.99999988 : f32
    %max3A = vector.broadcast %jit3A : f32 to vector<96x384xf32>
    %max3A_47 = arith.maximumf %max3A, %div3A : vector<96x384xf32>
    %min3A = vector.broadcast %jit3A_46 : f32 to vector<96x384xf32>
    %min3A_48 = arith.minimumf %min3A, %max3A_47 : vector<96x384xf32>
    %ge3A = arith.constant 2 : i32
    %ge3A_49 = vector.broadcast %ge3A : i32 to vector<96x384xi32>
    %ge3A_50 = arith.cmpi sge, %get3A_13, %ge3A_49 : vector<96x384xi32>
    %jit3A_51 = arith.constant 5.000000e+00 : f32
    %jit3A_52 = arith.constant 1.000000e+00 : f32
    %broadcast_in_dim3A = vector.broadcast %jit3A_51 : f32 to vector<96x384xf32>
    %broadcast_in_dim3A_53 = vector.broadcast %jit3A_52 : f32 to vector<96x384xf32>
    %select_n3A_54 = arith.select %ge3A_50, %broadcast_in_dim3A, %broadcast_in_dim3A_53 : vector<96x384xi1>, vector<96x384xf32>
    %log3A = math.log %min3A_48 : vector<96x384xf32>
    %neg3A = arith.constant 0.000000e+00 : f32
    %neg3A_55 = vector.broadcast %neg3A : f32 to vector<96x384xf32>
    %neg3A_56 = arith.subf %neg3A_55, %log3A : vector<96x384xf32>
    %mul3A = arith.mulf %neg3A_56, %select_n3A_54 : vector<96x384xf32>
    %mul3A_57 = arith.constant 0.333333343 : f32
    %mul3A_58 = vector.broadcast %mul3A_57 : f32 to vector<96x384xf32>
    %mul3A_59 = arith.mulf %square3A, %mul3A_58 : vector<96x384xf32>
    %mul3A_60 = arith.constant 0.333333343 : f32
    %mul3A_61 = vector.broadcast %mul3A_60 : f32 to vector<96x384xf32>
    %mul3A_62 = arith.mulf %mul3A, %mul3A_61 : vector<96x384xf32>
    %add3A_63 = arith.addf %mul3A_59, %mul3A_62 : vector<96x384xf32>
    %swap3A = arith.constant 0 : index
    %swap3A_64 = arith.constant 0 : index
    %swap3A_65 = arith.constant 0 : index
    %swap3A_66 = vector.load %arg9[%swap3A, %swap3A_64, %swap3A_65] : memref<1x96x384xf32, #tpu.memory_space<vmem>>, vector<1x96x384xf32>
    %swap3A_67 = vector.shape_cast %swap3A_66 : vector<1x96x384xf32> to vector<96x384xf32>
    %swap3A_68 = vector.shape_cast %add3A_63 : vector<96x384xf32> to vector<1x96x384xf32>
    tpu.vector_store %arg9[%swap3A, %swap3A_64, %swap3A_65], %swap3A_68 {strides = array<i32>} : memref<1x96x384xf32, #tpu.memory_space<vmem>>, vector<1x96x384xf32>,
    return
  }
  func.func @transform_0(%arg0: i32, %arg1: i32) -> (i32, i32, i32) {
    %c0_i32 = arith.constant 0 : i32
    %c0_i32_0 = arith.constant 0 : i32
    return %arg0, %arg1, %c0_i32 : i32, i32, i32
  }
  func.func @transform_1(%arg0: i32, %arg1: i32) -> (i32, i32, i32) {
    %c0_i32 = arith.constant 0 : i32
    %c0_i32_0 = arith.constant 0 : i32
    return %arg0, %arg1, %c0_i32 : i32, i32, i32
  }
  func.func @transform_2(%arg0: i32, %arg1: i32) -> (i32, i32, i32) {
    %c0_i32 = arith.constant 0 : i32
    %c0_i32_0 = arith.constant 0 : i32
    return %arg0, %arg1, %c0_i32 : i32, i32, i32
  }
  func.func @transform_3(%arg0: i32, %arg1: i32) -> (i32, i32, i32) {
    %c0_i32 = arith.constant 0 : i32
    %c0_i32_0 = arith.constant 0 : i32
    return %arg0, %arg1, %c0_i32 : i32, i32, i32
  }
  func.func @transform_4(%arg0: i32, %arg1: i32) -> (i32, i32, i32) {
    %c0_i32 = arith.constant 0 : i32
    %c0_i32_0 = arith.constant 0 : i32
    return %arg0, %arg1, %c0_i32 : i32, i32, i32
  }
  func.func @transform_5(%arg0: i32, %arg1: i32) -> (i32, i32, i32) {
    %c0_i32 = arith.constant 0 : i32
    %c0_i32_0 = arith.constant 0 : i32
    return %arg0, %arg1, %c0_i32 : i32, i32, i32
  }
  func.func @transform_6(%arg0: i32, %arg1: i32) -> (i32, i32, i32) {
    %c0_i32 = arith.constant 0 : i32
    %c0_i32_0 = arith.constant 0 : i32
    return %arg0, %arg1, %c0_i32 : i32, i32, i32
  }
  func.func @transform_7(%arg0: i32, %arg1: i32) -> (i32, i32, i32) {
    %c0_i32 = arith.constant 0 : i32
    %c0_i32_0 = arith.constant 0 : i32
    return %arg0, %arg1, %c0_i32 : i32, i32, i32
  }
}

module attributes {stable_mosaic.version = 14 : i64} {
  func.func @_combine_kernel(%arg0: i32, %arg1: memref<1x384x384xf32, #tpu.memory_space<vmem>>, %arg2: memref<1x384x384xf32, #tpu.memory_space<vmem>>, %arg3: memref<1x384x384xf32, #tpu.memory_space<vmem>>) attributes {dimension_semantics = [#tpu.dimension_semantics<arbitrary>], iteration_bounds = array<i64: 4>, scalar_prefetch = 0 : i64, scratch_operands = 0 : i64, tpu.core_type = #tpu.core_type<tc>, window_params = [{transform_indices = @transform_0, window_bounds = array<i64: 1, 384, 384>}, {transform_indices = @transform_1, window_bounds = array<i64: 1, 384, 384>}, {transform_indices = @transform_2, window_bounds = array<i64: 1, 384, 384>}]} {
    %get3A = arith.constant 0 : index
    %get3A_0 = arith.constant 0 : index
    %get3A_1 = arith.constant 0 : index
    %get3A_2 = vector.load %arg1[%get3A, %get3A_0, %get3A_1] : memref<1x384x384xf32, #tpu.memory_space<vmem>>, vector<1x384x384xf32>
    %get3A_3 = vector.shape_cast %get3A_2 : vector<1x384x384xf32> to vector<384x384xf32>
    %get3A_4 = arith.constant 0 : index
    %get3A_5 = arith.constant 0 : index
    %get3A_6 = arith.constant 0 : index
    %get3A_7 = vector.load %arg2[%get3A_4, %get3A_5, %get3A_6] : memref<1x384x384xf32, #tpu.memory_space<vmem>>, vector<1x384x384xf32>
    %get3A_8 = vector.shape_cast %get3A_7 : vector<1x384x384xf32> to vector<384x384xf32>
    %mul3A = arith.constant 0.166666672 : f32
    %mul3A_9 = vector.broadcast %mul3A : f32 to vector<384x384xf32>
    %mul3A_10 = arith.mulf %get3A_8, %mul3A_9 : vector<384x384xf32>
    %add3A = arith.addf %get3A_3, %mul3A_10 : vector<384x384xf32>
    %swap3A = arith.constant 0 : index
    %swap3A_11 = arith.constant 0 : index
    %swap3A_12 = arith.constant 0 : index
    %swap3A_13 = vector.load %arg3[%swap3A, %swap3A_11, %swap3A_12] : memref<1x384x384xf32, #tpu.memory_space<vmem>>, vector<1x384x384xf32>
    %swap3A_14 = vector.shape_cast %swap3A_13 : vector<1x384x384xf32> to vector<384x384xf32>
    %swap3A_15 = vector.shape_cast %add3A : vector<384x384xf32> to vector<1x384x384xf32>
    tpu.vector_store %arg3[%swap3A, %swap3A_11, %swap3A_12], %swap3A_15 {strides = array<i32>} : memref<1x384x384xf32, #tpu.memory_space<vmem>>, vector<1x384x384xf32>,
    return
  }
  func.func @transform_0(%arg0: i32) -> (i32, i32, i32) {
    %c0_i32 = arith.constant 0 : i32
    %c0_i32_0 = arith.constant 0 : i32
    %c0_i32_1 = arith.constant 0 : i32
    return %arg0, %c0_i32, %c0_i32_0 : i32, i32, i32
  }
  func.func @transform_1(%arg0: i32) -> (i32, i32, i32) {
    %c0_i32 = arith.constant 0 : i32
    %c0_i32_0 = arith.constant 0 : i32
    %c0_i32_1 = arith.constant 0 : i32
    return %arg0, %c0_i32, %c0_i32_0 : i32, i32, i32
  }
  func.func @transform_2(%arg0: i32) -> (i32, i32, i32) {
    %c0_i32 = arith.constant 0 : i32
    %c0_i32_0 = arith.constant 0 : i32
    %c0_i32_1 = arith.constant 0 : i32
    return %arg0, %c0_i32, %c0_i32_0 : i32, i32, i32
  }
}

</mosaic_0001>

<sc_bundles>
// kernel: kernel.6.cloned.1.call-start
scs
__scs_entry_jumppad:
0x0: {  	(pc) =	sbr.rel $0x88, $3  }
0x1: {  	(tag) =	ssettag $0x0;
	lr =	simm.s32 $0x1  }
0x2: {  	[smem:$0x3F9A] =	sst lr;
	_ =	strace $0xD0000000  }
0x3: {  	_ = 	snop  }
0x4: {  	_ = 	snop  }
0x5: {  	_ = 	snop  }
0x6: {  	_ = 	snop  }
0x7: {  	_ = 	snop  }
__scs_overlays_trampoline_lowered:
0x8: {  	[smem:$0x3FA9] =	sst s0  }
0x9: {  	[smem:$0x3FAA] =	sst s1  }
0xa: {  	[smem:$0x3FAB] =	sst s2  }
0xb: {  	[smem:$0x3FAC] =	sst s3  }
0xc: {  	[smem:$0x3FAD] =	sst s4  }
0xd: {  	[smem:$0x3FAE] =	sst s5  }
0xe: {  	[smem:$0x3FAF] =	sst s6  }
0xf: {  	[smem:$0x3FB0] =	sst s7  }
0x10: {  	[smem:$0x3FB1] =	sst s8  }
0x11: {  	[smem:$0x3FB2] =	sst s9;
	s0 =	simm.s32 @!p0 $0x0  }
0x12: {  	s1 =	sld [smem:$0x3F98];
	s0 =	simm.s32 @p0 $0x1  }
0x13: {  	[smem:$0x3FB3] =	sst s0;
	s0 =	simm.s32 @!p1 $0x0  }
0x14: {  	s2 =	sld [smem:$0x3F97];
	s0 =	simm.s32 @p1 $0x1  }
0x15: {  	[smem:$0x3FB4] =	sst s0;
	s0 =	simm.s32 @!p2 $0x0  }
0x16: {  	s3 =	sld [smem:$0x3FDB];
	s0 =	simm.s32 @p2 $0x1  }
0x17: {  	s4 =	simm.s32 $0x1BF5;
	[smem:$0x3FB6] =	sst s0  }
0x18: {  	s0 =	sld [smem:$0x3F99];
	_ =	swait.ge [sflag:s4], $0x0  }
0x19: {  	s7 =	sld [smem:$0x3F9A]  }
0x1a: {  	s8 =	sadd.s32 $0xFFFFE003, lr  }
0x1b: {  	s9 =	sadd.s32 $0xFFFFFEF7, lr;
	s5 =	simm.s32 $0xFFFFFFFF;
	p2 =	slt.u32 s8, $0xFFFFF086  }
0x1c: {  	p1 =	slt.u32 s9, $0xF7A;
	s5 =	simm.s32 @!p2 $0x0  }
0x1d: {  	s5 =	simm.s32 @p1 $0x1;
	p0 =	seq.s32 s7, s2  }
0x1e: {  	s7 =	smul.u32 @!p0 $0xF7A, s2;
	p2 =	seq.s32 @!p0 s5, $0x0  }
0x1f: {  	s9 =	smul.u32 $0xF7A, s1;
	s8 =	simm.s32 @!p0 $0x1BF5;
	p2 =	por !p2, p0  }
0x20: {  	[sflag:s8] =	ssyncset.s32 @!p0 $0xFFFFF086;
	s6 =	sadd.s32 @!p0 s3, s7;
	s7 =	simm.s32 @!p0 $0x108  }
0x21: {  	s3 =	sadd.s32 s3, s9;
	s6 =	sadd.s32 @!p0 $0x88, s6;
	s7 =	simm.s32 @p2 $0x1082  }
0x22: {  	[simem:s7], [sflag:s8] =	dma.local @!p0 [hbm:s6], $0xF7A  }
0x23: {  	s9 =	sor.u32 $0xD0000000, s2;
	s6 =	simm.s32 $0x108;
	_ =	swait.ge @!p0 [sflag:s8], $0x0  }
0x24: {  	s3 =	sadd.s32 $0x88, s3;
	s6 =	simm.s32 @!p1 $0x1082;
	[sflag:s4] =	ssyncset.s32 $0xFFFFF086  }
0x25: {  	[simem:s6], [sflag:s4] =	dma.local [hbm:s3], $0xF7A  }
0x26: {  	[smem:$0x3F9A] =	sst s1;
	(tag) =	ssettag s2;
	_ =	strace s9  }
0x27: {  	s1 =	sld [smem:$0x3FAA]  }
0x28: {  	s2 =	sld [smem:$0x3FAB]  }
0x29: {  	s4 =	sld [smem:$0x3FAD]  }
0x2a: {  	p0 =	seq.s32 s5, $0x0;
	s5 =	sld [smem:$0x3FAE]  }
0x2b: {  	s6 =	sld [smem:$0x3FAF]  }
0x2c: {  	s7 =	sld [smem:$0x3FB0]  }
0x2d: {  	s3 =	simm.s32 $0x108;
	s8 =	sld [smem:$0x3FB1]  }
0x2e: {  	s3 =	simm.s32 @!p0 $0x1082;
	s9 =	sld [smem:$0x3FB2]  }
0x2f: {  	lr =	sadd.s32 s0, s3;
	s0 =	sld [smem:$0x3FA9]  }
0x30: {  	s3 =	sld [smem:$0x3FAC]  }
0x31: {  	[smem:$0x3FB5] =	sst s10  }
0x32: {  	s10 =	sld [smem:$0x3FB3];
	_ =	sdelay $0x3  }
0x33: {  	p0 =	seq.s32 s10, $0x1;
	s10 =	sld [smem:$0x3FB5];
	_ =	sdelay $0x3  }
0x34: {  	[smem:$0x3FB5] =	sst s10  }
0x35: {  	s10 =	sld [smem:$0x3FB4];
	_ =	sdelay $0x3  }
0x36: {  	p1 =	seq.s32 s10, $0x1;
	s10 =	sld [smem:$0x3FB5];
	_ =	sdelay $0x3  }
0x37: {  	[smem:$0x3FB5] =	sst s10  }
0x38: {  	s10 =	sld [smem:$0x3FB6]  }
0x39: {  	_ = 	snop;
	(pc) =	sbr.ind lr, $3  }
0x3a: {  	_ = 	snop  }
0x3b: {  	_ = 	snop  }
0x3c: {  	p2 =	seq.s32 s10, $0x1;
	s10 =	sld [smem:$0x3FB5]  }
0x3d: {  	_ =	shalt  }
0x3e: {  	_ =	shalt  }
0x3f: {  	_ =	shalt  }
0x40: {  	_ =	shalt  }
0x41: {  	_ =	shalt  }
0x42: {  	_ =	shalt  }
0x43: {  	_ =	shalt  }
0x44: {  	_ =	shalt  }
0x45: {  	_ =	shalt  }
0x46: {  	_ =	shalt  }
0x47: {  	_ =	shalt  }
0x48: {  	_ =	shalt  }
0x49: {  	_ =	shalt  }
0x4a: {  	_ =	shalt  }
0x4b: {  	_ =	shalt  }
0x4c: {  	_ =	shalt  }
0x4d: {  	_ =	shalt  }
0x4e: {  	_ =	shalt  }
0x4f: {  	_ =	shalt  }
0x50: {  	_ =	shalt  }
0x51: {  	_ =	shalt  }
0x52: {  	_ =	shalt  }
0x53: {  	_ =	shalt  }
0x54: {  	_ =	shalt  }
0x55: {  	_ =	shalt  }
0x56: {  	_ =	shalt  }
0x57: {  	_ =	shalt  }
0x58: {  	_ =	shalt  }
0x59: {  	_ =	shalt  }
0x5a: {  	_ =	shalt  }
0x5b: {  	_ =	shalt  }
0x5c: {  	_ =	shalt  }
0x5d: {  	_ =	shalt  }
0x5e: {  	_ =	shalt  }
0x5f: {  	_ =	shalt  }
0x60: {  	_ =	shalt  }
0x61: {  	_ =	shalt  }
0x62: {  	_ =	shalt  }
0x63: {  	_ =	shalt  }
0x64: {  	_ =	shalt  }
0x65: {  	_ =	shalt  }
0x66: {  	_ =	shalt  }
0x67: {  	_ =	shalt  }
0x68: {  	_ =	shalt  }
0x69: {  	_ =	shalt  }
0x6a: {  	_ =	shalt  }
0x6b: {  	_ =	shalt  }
0x6c: {  	_ =	shalt  }
0x6d: {  	_ =	shalt  }
0x6e: {  	_ =	shalt  }
0x6f: {  	_ =	shalt  }
0x70: {  	_ =	shalt  }
0x71: {  	_ =	shalt  }
0x72: {  	_ =	shalt  }
0x73: {  	_ =	shalt  }
0x74: {  	_ =	shalt  }
0x75: {  	_ =	shalt  }
0x76: {  	_ =	shalt  }
0x77: {  	_ =	shalt  }
0x78: {  	_ =	shalt  }
0x79: {  	_ =	shalt  }
0x7a: {  	_ =	shalt  }
0x7b: {  	_ =	shalt  }
0x7c: {  	_ =	shalt  }
0x7d: {  	_ =	shalt  }
0x7e: {  	_ =	shalt  }
0x7f: {  	_ =	shalt  }
0x80: {  	_ =	shalt  }
0x81: {  	_ =	shalt  }
0x82: {  	_ =	shalt  }
0x83: {  	_ =	shalt  }
0x84: {  	_ =	shalt  }
0x85: {  	_ =	shalt  }
0x86: {  	_ =	shalt  }
0x87: {  	_ =	shalt  }
.Lfunc_end0:
.L_simem_size_0:
called_computation_lowered:
.L_overlay_start_0:
0x88: {  	s2 =	sld [smem:$0x3FD9]  }
0x89: {  	s3 =	sld [smem:$0x3FFE];
	_ =	sdelay $0x1  }
0x8a: {  	s1 =	srdreg.scid  }
0x8b: {  	s0 =	sand.u32 $0x1, s1  }
0x8c: {  	s18 =	sshll.u32 s0, $0xA;
	s2 =	sadd.s32 s3, s2  }
0x8d: {  	s2 =	sadd.s32 s2, s18  }
0x8e: {  	[smem:$0x3FC1] =	sst s2  }
0x8f: {  	_ = 	snop  }
0x90: {  	s2 =	sld [smem:$0x3FC7]  }
0x91: {  	s19 =	sld [smem:$0x3FC6]  }
0x92: {  	s4 =	sld [smem:$0x3FC3]  }
0x93: {  	s5 =	sld [smem:$0x3FD0];
	(tm) =	ssettm $0x1  }
0x94: {  	s6 =	sld [smem:$0x3FFB];
	_ =	sdelay $0x3  }
0x95: {  	_ =	strace s6  }
0x96: {  	s6 =	sld [smem:$0x3FFC];
	_ =	sdelay $0x3  }
0x97: {  	_ =	strace s6  }
0x98: {  	s6 =	sld [smem:$0x3FFD];
	_ =	sdelay $0x3  }
0x99: {  	_ =	strace s6  }
0x9a: {  	_ =	strace $0x8FFFFFFF  }
0x9b: {  	s20 =	sld [smem:$0x3FDB];
	_ =	sdelay $0x1  }
0x9c: {  	s7 =	simm.s32 $_scs_section_size  }
0x9d: {  	s8 =	simm.s32 $_size__tile_overlayer_lowered;
	s9 =	simm.s32 $_tile_overlayer_lowered  }
0x9e: {  	s23 =	simm.s32 $0x1BFF;
	s22 =	sshll.u32 s9, $0x1;
	s6 =	sadd.s32 s7, s20  }
0x9f: {  	s10 =	simm.s32 $0x0;
	s21 =	sshll.u32 s8, $0x1;
	s8 =	sadd.s32 s22, s6  }
0xa0: {  	[timem:s10], [sflag:s23] =	dma.local [hbm:s8], s21  }
0xa1: {  	_ =	swait.ge [sflag:s23], s21  }
0xa2: {  	s7 =	ssub.s32 $0x0, s21;
	[sflag:s23] =	ssyncset.done $0x0  }
0xa3: {  	[sflag:s23] =	ssyncadd.s32 s7;
	_ =	sdelay $0x1  }
0xa4: {  	s24 =	simm.s32 $0x1B8B  }
0xa5: {  	_ =	swait.ge [sflag:s24], $0x1  }
0xa6: {  	[sflag:s24] =	ssyncset.done $0x0  }
0xa7: {  	s25 =	simm.s32 $0x1B8E;
	[sflag:s24] =	ssyncadd.s32 $0xFFFFFFFF  }
0xa8: {  	s26 =	simm.s32 $execute0_lowered;
	[smem:$0x3FD2] =	sst s25  }
0xa9: {  	s7 =	sshll.u32 s26, $0x1;
	_ =	strace $0x80000046;
	[dreg:$0x1] =	wrdreg $0xFFFFFFFF  }
0xaa: {  	s28 =	simm.s32 $_size_execute0_lowered;
	s6 =	sadd.s32 s6, s7;
	[dreg:$0x0] =	wrdreg $0x0  }
0xab: {  	s7 =	sshll.u32 s28, $0x1;
	[dreg:$0x2] =	wrdreg s6  }
0xac: {  	[dreg:$0x3] =	wrdreg s7  }
0xad: {  	[dreg:$0x4] =	wrdreg $0xC0  }
0xae: {  	_ =	task [dreg:s10], $0x5FFFF  }
0xaf: {  	[dreg:$0x1] =	wrdreg $0xFFFFFFFF  }
0xb0: {  	[dreg:$0x0] =	wrdreg $0x60  }
0xb1: {  	[dreg:$0x2] =	wrdreg s4  }
0xb2: {  	[dreg:$0x3] =	wrdreg s2  }
0xb3: {  	[dreg:$0x4] =	wrdreg s19  }
0xb4: {  	[dreg:$0x5] =	wrdreg s5  }
0xb5: {  	[dreg:$0x6] =	wrdreg $0x12B000  }
0xb6: {  	[dreg:$0x7] =	wrdreg $0x9  }
0xb7: {  	_ =	task.clear_ibuf [dreg:s10], $0x8FFFF;
	_ =	strace $0x90000046  }
0xb8: {  	s29 =	simm.s32 $0x9;
	_ =	strace $0x80000048  }
0xb9: {  	_ =	swait.ge [sflag:s29], $0x1  }
0xba: {  	[sflag:s29] =	ssyncadd.s32 $0xFFFFFFFF  }
0xbb: {  	_ =	strace $0x90000048  }
0xbc: {  	_ =	sfence  }
0xbd: {  	s30 =	sld [smem:$0x0];
	_ =	sdelay $0x2  }
0xbe: {  	s31 =	sshll.u32 s1, $0xD;
	s1 =	sshrl.u32 s1, $0x2  }
0xbf: {  	s3 =	sand.u32 $0x4000, s31;
	s1 =	sadd.s32 s1, s30  }
0xc0: {  	s0 =	sor.u32 s3, s0;
	s1 =	sshll.u32 s1, $0x11  }
0xc1: {  	s0 =	sor.u32 s1, s0  }
0xc2: {  	s0 =	sadd.s32 $0x8F2B, s0  }
0xc3: {  	[sflag:s0] =	ssyncadd.remote.s32 $0x1  }
0xc4: {  	_ =	sfence.sel $0xFFFF  }
0xc5: {  	[dreg:$0x0] =	wrdreg $0xFFFFFFFF;
	(pc) =	sbr.abs _section_cstart, $3  }
0xc6: {  	[dreg:$0x1] =	wrdreg $0xFFFFFFFF  }
0xc7: {  	_ =	task.clear_ibuf [dreg:s10], $0x2FFFF;
	_ =	strace $0x9FFFFFFF  }
0xc8: {  	(tm) =	ssettm $0x7FFFFFFF  }
0xc9: {  	_ =	shalt  }
tec
execute0_lowered:
.L_overlay_start_1:
0x0: {  	(tag) =	ssettag $0x1  }
0x1: {  	s3 =	rddreg [dreg:$0x0]  }
0x2: {  	s5 =	rddreg [dreg:$0x1]  }
0x3: {  	s7 =	rddreg [dreg:$0x2]  }
0x4: {  	s1 =	srdreg.scid;
	s8 =	rddreg [dreg:$0x3]  }
0x5: {  	s0 =	stileid.u32;
	s10 =	rddreg [dreg:$0x4]  }
0x6: {  	s15 =	simm.s32 $0x80;
	s16 =	simm.s32 $0x400;
	s17 =	simm.s32 $0x2  }
0x7: {  	s18 =	simm.s32 $0x12300;
	s19 =	simm.s32 $0x12200;
	s20 =	simm.s32 $0x12280  }
0x8: {  	s21 =	simm.s32 $0xD800;
	s22 =	simm.s32 $0x0;
	s4 =	sand.u32 $0x1, s1  }
0x9: {  	s6 =	sshrl.u32 s0, $0x3;
	s2 =	sand.u32 $0x7, s0;
	s12 =	sshll.u32 s0, $0x8  }
0xa: {  	s31 =	sshll.u32 s0, $0x7;
	s1 =	sshll.u32 s4, $0x1;
	s11 =	smul.u32 $0x4800, s2  }
0xb: {  	s2 =	simm.s32 $0x0;
	s4 =	ssub.s32 $0x2, s4;
	s30 =	sand.u32 $0x800, s12  }
0xc: {  	s12 =	sand.u32 $0x380, s31;
	s14 =	sshll.u32 s6, $0xB;
	s1 =	sor.u32 s6, s1  }
0xd: {  	[smem:$0x7FF] =	sst s2;
	s29 =	sshrl.u32 s4, $0x1;
	s9 =	smul.u32 $0x24000, s1  }
0xe: {  	s13 =	sadd.s32 s30, s10;
	s1 =	rddreg [dreg:$0x5];
	_ =	strace $0x80000047  }
0xf: {  	s6 =	sadd.s32 s12, s13;
	s12 =	simm.s32 $0x1;
	s9 =	sadd.s32 s11, s9  }
0x10: {  	s13 =	simm.s32 $0x12000;
	s11 =	ssub.s32 s4, s29;
	s9 =	sshrl.u32 s9, $0x3  }
0x11: {  	s3 =	sadd.s32 s3, s9;
	s4 =	sadd.s32 s5, s9;
	s5 =	sadd.s32 s7, s9  }
0x12: {  	s7 =	sadd.s32 s14, s10;
	s8 =	sadd.s32 s8, s9;
	s9 =	smax.u32 s11, $0x1  }
0x13: {  	v0 =	vimm.f32 $0.0e+00;
	v1 =	vimm.f32 $1.000000000e+00;
	v2 =	vlaneseq.u32;
	s10 =	simm.s32 $0x4800;
	s11 =	simm.s32 $0x9000;
	s14 =	simm.s32 $0x12100  }
.LBB2_1:
0x14: {  	[tilespmem:s2], [sflag:$0x1] =	stream.linear.gather [hbm4b:s3+s2], $0x4800, $0x38;
	[tilespmem:$0x12C00] =	vst v63  }
0x15: {  	_ = 	snop  }
0x16: {  	[tilespmem:s10], [sflag:$0x1] =	stream.linear.gather [hbm4b:s4+s2], $0x4800, $0x38;
	[tilespmem:$0x12C00] =	vst v63  }
0x17: {  	_ = 	snop  }
0x18: {  	[tilespmem:s11], [sflag:$0x1] =	stream.linear.gather [hbm4b:s5+s2], $0x4800, $0x38;
	[tilespmem:$0x12C00] =	vst v63  }
0x19: {  	_ =	swait.ge [sflag:s12], $0x4800  }
0x1a: {  	[sflag:s12] =	ssyncset.done $0x0  }
0x1b: {  	[sflag:s12] =	ssyncadd.s32 $0xFFFFB800  }
0x1c: {  	_ =	swait.ge [sflag:s12], $0x4800  }
0x1d: {  	[sflag:s12] =	ssyncset.done $0x0  }
0x1e: {  	[sflag:s12] =	ssyncadd.s32 $0xFFFFB800  }
0x1f: {  	_ =	swait.ge [sflag:s12], $0x4800  }
0x20: {  	[sflag:s12] =	ssyncset.done $0x0  }
0x21: {  	[sflag:s12] =	ssyncadd.s32 $0xFFFFB800  }
0x22: {  	[tilespmem:$0x12000] =	vst v0  }
0x23: {  	[tilespmem:$0x12100] =	vst v0  }
0x24: {  	[tilespmem:$0x12010] =	vst v0  }
0x25: {  	[tilespmem:$0x12110] =	vst v0  }
0x26: {  	[tilespmem:$0x12020] =	vst v0  }
0x27: {  	[tilespmem:$0x12120] =	vst v0  }
0x28: {  	[tilespmem:$0x12030] =	vst v0  }
0x29: {  	[tilespmem:$0x12130] =	vst v0  }
0x2a: {  	[tilespmem:$0x12040] =	vst v0  }
0x2b: {  	[tilespmem:$0x12140] =	vst v0  }
0x2c: {  	[tilespmem:$0x12050] =	vst v0  }
0x2d: {  	[tilespmem:$0x12150] =	vst v0  }
0x2e: {  	[tilespmem:$0x12060] =	vst v0  }
0x2f: {  	[tilespmem:$0x12160] =	vst v0  }
0x30: {  	[tilespmem:$0x12070] =	vst v0  }
0x31: {  	[tilespmem:$0x12170] =	vst v0  }
0x32: {  	[tilespmem:$0x12080] =	vst v0  }
0x33: {  	s23 =	simm.s32 $0x0;
	[tilespmem:$0x12180] =	vst v0  }
.LBB2_2:
0x34: {  	s24 =	sshra.s32 s23, $0x2  }
0x35: {  	v3 =	vld [tilespmem:s24+$0x0];
	_ =	sdelay $0x7  }
0x36: {  	[tilespmem:v3+s13+$0x0] =	vst.idx.add.f32.msk $0xffff, v1  }
0x37: {  	v4 =	vadd.s32 $0x30, v3;
	v5 =	vld [tilespmem:s24+$0x4800];
	_ =	sdelay $0x4  }
0x38: {  	[tilespmem:v4+s13+$0x0] =	vst.idx.add.f32.msk $0xffff, v5  }
0x39: {  	v3 =	vadd.s32 $0x60, v3;
	v4 =	vld [tilespmem:s24+$0x9000];
	_ =	sdelay $0x4  }
0x3a: {  	[tilespmem:v3+s13+$0x0] =	vst.idx.add.f32.msk $0xffff, v4  }
0x3b: {  	v3 =	vld [tilespmem:s24+$0x10];
	_ =	sdelay $0x7  }
0x3c: {  	[tilespmem:v3+s14+$0x0] =	vst.idx.add.f32.msk $0xffff, v1  }
0x3d: {  	v57 =	vadd.s32 $0x30, v3;
	v5 =	vld [tilespmem:s24+$0x4810];
	_ =	sdelay $0x4  }
0x3e: {  	[tilespmem:v57+s14+$0x0] =	vst.idx.add.f32.msk $0xffff, v5  }
0x3f: {  	v3 =	vadd.s32 $0x60, v3;
	v4 =	vld [tilespmem:s24+$0x9010];
	_ =	sdelay $0x4  }
0x40: {  	[tilespmem:v3+s14+$0x0] =	vst.idx.add.f32.msk $0xffff, v4  }
0x41: {  	v3 =	vld [tilespmem:s24+$0x20];
	_ =	sdelay $0x7  }
0x42: {  	[tilespmem:v3+s13+$0x0] =	vst.idx.add.f32.msk $0xffff, v1  }
0x43: {  	v58 =	vadd.s32 $0x30, v3;
	v5 =	vld [tilespmem:s24+$0x4820];
	_ =	sdelay $0x4  }
0x44: {  	[tilespmem:v58+s13+$0x0] =	vst.idx.add.f32.msk $0xffff, v5  }
0x45: {  	v3 =	vadd.s32 $0x60, v3;
	v4 =	vld [tilespmem:s24+$0x9020];
	_ =	sdelay $0x4  }
0x46: {  	[tilespmem:v3+s13+$0x0] =	vst.idx.add.f32.msk $0xffff, v4  }
0x47: {  	v3 =	vld [tilespmem:s24+$0x30];
	_ =	sdelay $0x7  }
0x48: {  	[tilespmem:v3+s14+$0x0] =	vst.idx.add.f32.msk $0xffff, v1  }
0x49: {  	v59 =	vadd.s32 $0x30, v3;
	v5 =	vld [tilespmem:s24+$0x4830];
	_ =	sdelay $0x4  }
0x4a: {  	[tilespmem:v59+s14+$0x0] =	vst.idx.add.f32.msk $0xffff, v5  }
0x4b: {  	v3 =	vadd.s32 $0x60, v3;
	v4 =	vld [tilespmem:s24+$0x9030];
	_ =	sdelay $0x4  }
0x4c: {  	[tilespmem:v3+s14+$0x0] =	vst.idx.add.f32.msk $0xffff, v4  }
0x4d: {  	v3 =	vld [tilespmem:s24+$0x40];
	_ =	sdelay $0x7  }
0x4e: {  	[tilespmem:v3+s13+$0x0] =	vst.idx.add.f32.msk $0xffff, v1  }
0x4f: {  	v60 =	vadd.s32 $0x30, v3;
	v5 =	vld [tilespmem:s24+$0x4840];
	_ =	sdelay $0x4  }
0x50: {  	[tilespmem:v60+s13+$0x0] =	vst.idx.add.f32.msk $0xffff, v5  }
0x51: {  	v3 =	vadd.s32 $0x60, v3;
	v4 =	vld [tilespmem:s24+$0x9040];
	_ =	sdelay $0x4  }
0x52: {  	[tilespmem:v3+s13+$0x0] =	vst.idx.add.f32.msk $0xffff, v4  }
0x53: {  	v3 =	vld [tilespmem:s24+$0x50];
	_ =	sdelay $0x7  }
0x54: {  	[tilespmem:v3+s14+$0x0] =	vst.idx.add.f32.msk $0xffff, v1  }
0x55: {  	v61 =	vadd.s32 $0x30, v3;
	v5 =	vld [tilespmem:s24+$0x4850];
	_ =	sdelay $0x4  }
0x56: {  	[tilespmem:v61+s14+$0x0] =	vst.idx.add.f32.msk $0xffff, v5  }
0x57: {  	v3 =	vadd.s32 $0x60, v3;
	v4 =	vld [tilespmem:s24+$0x9050];
	_ =	sdelay $0x4  }
0x58: {  	[tilespmem:v3+s14+$0x0] =	vst.idx.add.f32.msk $0xffff, v4  }
0x59: {  	v3 =	vld [tilespmem:s24+$0x60];
	_ =	sdelay $0x7  }
0x5a: {  	[tilespmem:v3+s13+$0x0] =	vst.idx.add.f32.msk $0xffff, v1  }
0x5b: {  	v62 =	vadd.s32 $0x30, v3;
	v5 =	vld [tilespmem:s24+$0x4860];
	_ =	sdelay $0x4  }
0x5c: {  	[tilespmem:v62+s13+$0x0] =	vst.idx.add.f32.msk $0xffff, v5  }
0x5d: {  	v3 =	vadd.s32 $0x60, v3;
	v4 =	vld [tilespmem:s24+$0x9060];
	_ =	sdelay $0x4  }
0x5e: {  	[tilespmem:v3+s13+$0x0] =	vst.idx.add.f32.msk $0xffff, v4  }
0x5f: {  	v3 =	vld [tilespmem:s24+$0x70];
	_ =	sdelay $0x7  }
0x60: {  	[tilespmem:v3+s14+$0x0] =	vst.idx.add.f32.msk $0xffff, v1  }
0x61: {  	v63 =	vadd.s32 $0x30, v3;
	v5 =	vld [tilespmem:s24+$0x4870];
	_ =	sdelay $0x4  }
0x62: {  	[tilespmem:v63+s14+$0x0] =	vst.idx.add.f32.msk $0xffff, v5  }
0x63: {  	p0 =	sne.s32 s23, $0x11E00;
	v3 =	vadd.s32 $0x60, v3;
	v4 =	vld [tilespmem:s24+$0x9070]  }
.Ltmp0:
0x64: {  	_ = 	snop;
	(pc) =	sbr.rel @p0 .LBB2_2-.Ltmp0, $2  }
0x65: {  	_ =	sdelay $0x2  }
0x66: {  	s23 =	sadd.s32 $0x200, s23;
	[tilespmem:v3+s14+$0x0] =	vst.idx.add.f32.msk $0xffff, v4  }
0x67: {  	v3 =	vld [tilespmem:$0x12000]  }
0x68: {  	v4 =	vld [tilespmem:$0x12100]  }
0x69: {  	v5 =	vld [tilespmem:$0x12010]  }
0x6a: {  	v6 =	vld [tilespmem:$0x12110]  }
0x6b: {  	v7 =	vld [tilespmem:$0x12020]  }
0x6c: {  	v8 =	vld [tilespmem:$0x12120]  }
0x6d: {  	v9 =	vld [tilespmem:$0x12030]  }
0x6e: {  	v10 =	vld [tilespmem:$0x12130]  }
0x6f: {  	v11 =	vld [tilespmem:$0x12040]  }
0x70: {  	v12 =	vld [tilespmem:$0x12140]  }
0x71: {  	v13 =	vld [tilespmem:$0x12050]  }
0x72: {  	v14 =	vld [tilespmem:$0x12150]  }
0x73: {  	v15 =	vld [tilespmem:$0x12060]  }
0x74: {  	v16 =	vld [tilespmem:$0x12160]  }
0x75: {  	v3 =	vadd.f32 v4, v3;
	v4 =	vld [tilespmem:$0x12070]  }
0x76: {  	v5 =	vadd.f32 v6, v5;
	v6 =	vld [tilespmem:$0x12170]  }
0x77: {  	[tilespmem:$0x12000] =	vst v3;
	v3 =	vadd.f32 v8, v7;
	v7 =	vld [tilespmem:$0x12080]  }
0x78: {  	[tilespmem:$0x12010] =	vst v5;
	v5 =	vadd.f32 v10, v9;
	v8 =	vld [tilespmem:$0x12180]  }
0x79: {  	[tilespmem:$0x12020] =	vst v3;
	v3 =	vadd.f32 v12, v11  }
0x7a: {  	[tilespmem:$0x12030] =	vst v5;
	v5 =	vadd.f32 v14, v13  }
0x7b: {  	[tilespmem:$0x12040] =	vst v3;
	v3 =	vadd.f32 v16, v15  }
0x7c: {  	v4 =	vadd.f32 v6, v4;
	[tilespmem:$0x12050] =	vst v5  }
0x7d: {  	[tilespmem:$0x12060] =	vst v3;
	v3 =	vadd.f32 v8, v7  }
0x7e: {  	[tilespmem:$0x12070] =	vst v4  }
0x7f: {  	[tilespmem:$0x12080] =	vst v3  }
0x80: {  	[spmem:s6] =	stream.strided.scatter [tilespmem:s13], [sflag:$0x2], $0x100, s16, s15, $0x38;
	[tilespmem:$0x12C00] =	vst v63  }
0x81: {  	_ =	swait.ge [sflag:s17], $0x100  }
0x82: {  	[sflag:s17] =	ssyncset.done $0x0  }
0x83: {  	[sflag:s17] =	ssyncadd.s32 $0xFFFFFF00  }
0x84: {  	[bflag:$0x0] =	sbarrier.arrive $0xFFFF  }
0x85: {  	[tilespmem:s18], [sflag:$0x2] =	stream.linear.gather [spmem:s7], $0x800, $0x38;
	[tilespmem:$0x12C00] =	vst v63  }
0x86: {  	_ =	swait.ge [sflag:s17], $0x800  }
0x87: {  	[sflag:s17] =	ssyncset.done $0x0  }
0x88: {  	[sflag:s17] =	ssyncadd.s32 $0xFFFFF800  }
0x89: {  	v3 =	vld [tilespmem:$0x12300]  }
0x8a: {  	v4 =	vld [tilespmem:$0x12330]  }
0x8b: {  	v5 =	vld [tilespmem:$0x12360]  }
0x8c: {  	v6 =	vld [tilespmem:$0x12380]  }
0x8d: {  	v7 =	vld [tilespmem:$0x123B0]  }
0x8e: {  	v8 =	vld [tilespmem:$0x123E0]  }
0x8f: {  	v48 =	vld [tilespmem:$0x12400]  }
0x90: {  	v49 =	vld [tilespmem:$0x12430]  }
0x91: {  	v50 =	vld [tilespmem:$0x12460]  }
0x92: {  	v51 =	vld [tilespmem:$0x12480]  }
0x93: {  	v52 =	vld [tilespmem:$0x124B0]  }
0x94: {  	v53 =	vld [tilespmem:$0x124E0]  }
0x95: {  	v54 =	vld [tilespmem:$0x12500]  }
0x96: {  	v55 =	vld [tilespmem:$0x12530]  }
0x97: {  	v17 =	vld [tilespmem:$0x12560]  }
0x98: {  	v18 =	vld [tilespmem:$0x12580]  }
0x99: {  	v19 =	vld [tilespmem:$0x125B0]  }
0x9a: {  	v20 =	vld [tilespmem:$0x125E0]  }
0x9b: {  	v21 =	vld [tilespmem:$0x12600]  }
0x9c: {  	v22 =	vld [tilespmem:$0x12630]  }
0x9d: {  	v23 =	vld [tilespmem:$0x12660]  }
0x9e: {  	v24 =	vld [tilespmem:$0x12680]  }
0x9f: {  	v25 =	vld [tilespmem:$0x126B0]  }
0xa0: {  	v26 =	vld [tilespmem:$0x126E0]  }
0xa1: {  	v27 =	vld [tilespmem:$0x12310]  }
0xa2: {  	v28 =	vld [tilespmem:$0x12340]  }
0xa3: {  	v29 =	vld [tilespmem:$0x12370]  }
0xa4: {  	v30 =	vld [tilespmem:$0x12390]  }
0xa5: {  	v31 =	vld [tilespmem:$0x123C0]  }
0xa6: {  	v32 =	vld [tilespmem:$0x123F0]  }
0xa7: {  	v33 =	vld [tilespmem:$0x12410]  }
0xa8: {  	v34 =	vld [tilespmem:$0x12440]  }
0xa9: {  	v35 =	vld [tilespmem:$0x12470]  }
0xaa: {  	v36 =	vld [tilespmem:$0x12490]  }
0xab: {  	v37 =	vld [tilespmem:$0x124C0]  }
0xac: {  	v38 =	vld [tilespmem:$0x124F0]  }
0xad: {  	v39 =	vld [tilespmem:$0x12510]  }
0xae: {  	v40 =	vld [tilespmem:$0x12540]  }
0xaf: {  	v41 =	vld [tilespmem:$0x12570]  }
0xb0: {  	v42 =	vld [tilespmem:$0x12590]  }
0xb1: {  	v56 =	vld [tilespmem:$0x12320]  }
0xb2: {  	v57 =	vld [tilespmem:$0x123A0]  }
0xb3: {  	v43 =	vld [tilespmem:$0x125C0]  }
0xb4: {  	v44 =	vld [tilespmem:$0x125F0]  }
0xb5: {  	v58 =	vld [tilespmem:$0x12420];
	v3 =	vadd.f32 v6, v3;
	v4 =	vadd.f32 v7, v4  }
0xb6: {  	v60 =	vld [tilespmem:$0x124A0];
	v5 =	vadd.f32 v8, v5;
	v59 =	vadd.f32 v30, v27  }
0xb7: {  	v61 =	vld [tilespmem:$0x12350];
	v9 =	vadd.f32 v57, v56;
	v47 =	vadd.f32 v32, v29  }
0xb8: {  	v30 =	vld [tilespmem:$0x123D0];
	v3 =	vadd.f32 v48, v3;
	v4 =	vadd.f32 v49, v4  }
0xb9: {  	v45 =	vld [tilespmem:$0x12610];
	v5 =	vadd.f32 v50, v5;
	v13 =	vadd.f32 v33, v59  }
0xba: {  	v11 =	vld [tilespmem:$0x126C0];
	v9 =	vadd.f32 v58, v9;
	v50 =	vadd.f32 v35, v47  }
0xbb: {  	v62 =	vld [tilespmem:$0x12520];
	v3 =	vadd.f32 v51, v3;
	v4 =	vadd.f32 v52, v4  }
0xbc: {  	v14 =	vld [tilespmem:$0x126F0];
	v5 =	vadd.f32 v53, v5;
	v13 =	vadd.f32 v36, v13  }
0xbd: {  	v63 =	vld [tilespmem:$0x12700];
	v9 =	vadd.f32 v60, v9;
	v10 =	vadd.f32 v30, v61  }
0xbe: {  	v27 =	vld [tilespmem:$0x125A0];
	v3 =	vadd.f32 v54, v3;
	v4 =	vadd.f32 v55, v4  }
0xbf: {  	v46 =	vld [tilespmem:$0x12450];
	v5 =	vadd.f32 v17, v5;
	v13 =	vadd.f32 v39, v13  }
0xc0: {  	v36 =	vld [tilespmem:$0x12780];
	v9 =	vadd.f32 v62, v9;
	v3 =	vadd.f32 v18, v3  }
0xc1: {  	v8 =	vld [tilespmem:$0x12690];
	v39 =	vadd.f32 v31, v28;
	v4 =	vadd.f32 v19, v4  }
0xc2: {  	v33 =	vld [tilespmem:$0x12620];
	v5 =	vadd.f32 v20, v5;
	v3 =	vadd.f32 v21, v3  }
0xc3: {  	v48 =	vld [tilespmem:$0x12800];
	v13 =	vadd.f32 v42, v13;
	v9 =	vadd.f32 v27, v9  }
0xc4: {  	v42 =	vld [tilespmem:$0x126A0];
	v19 =	vadd.f32 v34, v39;
	v3 =	vadd.f32 v24, v3  }
0xc5: {  	v6 =	vld [tilespmem:$0x12640];
	v12 =	vadd.f32 v36, v63;
	v13 =	vadd.f32 v45, v13  }
0xc6: {  	v7 =	vld [tilespmem:$0x12670];
	v4 =	vadd.f32 v22, v4;
	v5 =	vadd.f32 v23, v5;
	v3 =	vmax.f32 v3, $1.000000000e+00  }
0xc7: {  	v49 =	vld [tilespmem:$0x124D0];
	(erf) = vrcp.f32 v3;
	v3 =	vadd.f32 v8, v13;
	v8 =	vadd.f32 v33, v9  }
0xc8: {  	v51 =	vld [tilespmem:$0x12880];
	v53 =	vadd.f32 v37, v19;
	v12 =	vadd.f32 v48, v12  }
0xc9: {  	v52 =	vld [tilespmem:$0x12550];
	v13 =	vadd.f32 v38, v50;
	v3 =	vmax.f32 v3, $1.000000000e+00;
	v8 =	vadd.f32 v42, v8  }
0xca: {  	v54 =	vld [tilespmem:$0x12900];
	v4 =	vadd.f32 v25, v4;
	(erf) = vrcp.f32 v3;
	v3 =	vadd.f32 v46, v10  }
0xcb: {  	v55 =	vld [tilespmem:$0x125D0];
	v5 =	vadd.f32 v26, v5;
	v56 =	vadd.f32 v41, v13;
	v8 =	vmax.f32 v8, $1.000000000e+00  }
0xcc: {  	v18 =	vadd.f32 v40, v53;
	v3 =	vadd.f32 v49, v3;
	(erf) = vrcp.f32 v8;
	v8 =	vld [tilespmem:$0x12980]  }
0xcd: {  	v57 =	vld [tilespmem:$0x12650];
	v12 =	vadd.f32 v51, v12;
	v9 =	vadd.f32 v44, v56  }
0xce: {  	v59 =	vld [tilespmem:$0x12A00];
	v58 =	vadd.f32 v43, v18;
	v3 =	vadd.f32 v52, v3  }
0xcf: {  	v60 =	vld [tilespmem:$0x126D0];
	v10 =	vadd.f32 v54, v12;
	v7 =	vadd.f32 v7, v9  }
0xd0: {  	vm0 =	veq.s32 v2, $0x0;
	v62 =	vld [tilespmem:$0x12A80];
	v6 =	vadd.f32 v6, v58;
	v61 =	vpop (erf);
	v3 =	vadd.f32 v55, v3  }
0xd1: {  	v7 =	vadd.f32 v14, v7;
	v8 =	vadd.f32 v8, v10;
	v4 =	vmul.f32 v61, v4  }
0xd2: {  	v6 =	vadd.f32 v11, v6;
	v5 =	vmul.f32 v61, v5;
	v3 =	vadd.f32 v57, v3  }
0xd3: {  	v63 =	vpop (erf);
	v8 =	vadd.f32 v59, v8;
	v4 =	vsel vm0, $0x0, v4  }
0xd4: {  	[tilespmem:$0x12200] =	vst v4;
	v3 =	vadd.f32 v60, v3;
	v4 =	vsel vm0, $0x0, v5;
	v5 =	vmul.f32 v63, v6  }
0xd5: {  	[tilespmem:$0x12280] =	vst v4;
	v4 =	vmul.f32 v63, v7;
	v6 =	vadd.f32 v62, v8;
	v7 =	vpop (erf)  }
0xd6: {  	[tilespmem:$0x12210] =	vst v5;
	v3 =	vmul.f32 v7, v3  }
0xd7: {  	[tilespmem:$0x12290] =	vst v4;
	v4 =	vmul.f32 v7, v6  }
0xd8: {  	[tilespmem:$0x12220] =	vst v3  }
0xd9: {  	s23 =	simm.s32 $0x0;
	[tilespmem:$0x122A0] =	vst v4  }
0xda: {  	v3 =	vld [tilespmem:s23+$0x0];
	_ =	sdelay $0x5  }
0xdb: {  	v4 =	vld [tilespmem:s23+$0x9000]  }
0xdc: {  	v5 =	vld [tilespmem:s23+$0x4800]  }
0xdd: {  	v6 =	vld.idx.msk [tilespmem:v3+s19+$0x0], $0xffff  }
0xde: {  	v3 =	vld.idx.msk [tilespmem:v3+s20+$0x0], $0xffff;
	_ =	sdelay $0x3  }
0xdf: {  	v5 =	vsub.f32 v6, v5;
	v6 =	vld [tilespmem:s23+$0x10]  }
0xe0: {  	v3 =	vsub.f32 v3, v4;
	_ =	sdelay $0x1  }
0xe1: {  	v4 =	vmul.f32 v5, v5;
	v3 =	vmul.f32 v3, v3;
	_ =	sdelay $0x1  }
0xe2: {  	v3 =	vadd.f32 v3, v4  }
0xe3: {  	v4 =	vld [tilespmem:s23+$0x9010]  }
0xe4: {  	[tilespmem:s23+$0xD800] =	vst v3;
	v3 =	vld [tilespmem:s23+$0x4810]  }
0xe5: {  	v5 =	vld.idx.msk [tilespmem:v6+s19+$0x0], $0xffff  }
0xe6: {  	v6 =	vld.idx.msk [tilespmem:v6+s20+$0x0], $0xffff;
	_ =	sdelay $0x3  }
0xe7: {  	v3 =	vsub.f32 v5, v3;
	v5 =	vld [tilespmem:s23+$0x20]  }
0xe8: {  	v4 =	vsub.f32 v6, v4;
	_ =	sdelay $0x1  }
0xe9: {  	v3 =	vmul.f32 v3, v3;
	v4 =	vmul.f32 v4, v4;
	_ =	sdelay $0x1  }
0xea: {  	v3 =	vadd.f32 v4, v3  }
0xeb: {  	v4 =	vld [tilespmem:s23+$0x9020]  }
0xec: {  	[tilespmem:s23+$0xD810] =	vst v3;
	v3 =	vld [tilespmem:s23+$0x4820]  }
0xed: {  	v6 =	vld.idx.msk [tilespmem:v5+s19+$0x0], $0xffff  }
0xee: {  	v5 =	vld.idx.msk [tilespmem:v5+s20+$0x0], $0xffff;
	_ =	sdelay $0x3  }
0xef: {  	v7 =	vld [tilespmem:s23+$0x30]  }
0xf0: {  	v3 =	vsub.f32 v6, v3;
	v4 =	vsub.f32 v5, v4;
	_ =	sdelay $0x1  }
0xf1: {  	v3 =	vmul.f32 v3, v3;
	v4 =	vmul.f32 v4, v4;
	_ =	sdelay $0x1  }
0xf2: {  	v3 =	vadd.f32 v4, v3  }
0xf3: {  	v5 =	vld [tilespmem:s23+$0x4830]  }
0xf4: {  	v4 =	vld [tilespmem:s23+$0x9030];
	[tilespmem:s23+$0xD820] =	vst v3  }
0xf5: {  	v3 =	vld.idx.msk [tilespmem:v7+s19+$0x0], $0xffff  }
0xf6: {  	v6 =	vld.idx.msk [tilespmem:v7+s20+$0x0], $0xffff;
	_ =	sdelay $0x3  }
0xf7: {  	v7 =	vld [tilespmem:s23+$0x40]  }
0xf8: {  	v3 =	vsub.f32 v3, v5;
	v4 =	vsub.f32 v6, v4;
	_ =	sdelay $0x1  }
0xf9: {  	v3 =	vmul.f32 v3, v3;
	v4 =	vmul.f32 v4, v4;
	_ =	sdelay $0x1  }
0xfa: {  	v3 =	vadd.f32 v4, v3  }
0xfb: {  	v5 =	vld [tilespmem:s23+$0x9040]  }
0xfc: {  	v4 =	vld [tilespmem:s23+$0x4840];
	[tilespmem:s23+$0xD830] =	vst v3  }
0xfd: {  	v3 =	vld.idx.msk [tilespmem:v7+s19+$0x0], $0xffff  }
0xfe: {  	v6 =	vld.idx.msk [tilespmem:v7+s20+$0x0], $0xffff;
	_ =	sdelay $0x3  }
0xff: {  	v7 =	vld [tilespmem:s23+$0x50]  }
0x100: {  	v3 =	vsub.f32 v3, v4;
	v4 =	vsub.f32 v6, v5;
	_ =	sdelay $0x1  }
0x101: {  	v3 =	vmul.f32 v3, v3;
	v4 =	vmul.f32 v4, v4;
	_ =	sdelay $0x1  }
0x102: {  	v3 =	vadd.f32 v4, v3  }
0x103: {  	v5 =	vld [tilespmem:s23+$0x9050]  }
0x104: {  	v4 =	vld [tilespmem:s23+$0x4850];
	[tilespmem:s23+$0xD840] =	vst v3  }
0x105: {  	v3 =	vld.idx.msk [tilespmem:v7+s19+$0x0], $0xffff  }
0x106: {  	v6 =	vld.idx.msk [tilespmem:v7+s20+$0x0], $0xffff;
	_ =	sdelay $0x3  }
0x107: {  	v7 =	vld [tilespmem:s23+$0x60]  }
0x108: {  	v3 =	vsub.f32 v3, v4;
	v4 =	vsub.f32 v6, v5;
	_ =	sdelay $0x1  }
0x109: {  	v3 =	vmul.f32 v3, v3;
	v4 =	vmul.f32 v4, v4;
	_ =	sdelay $0x1  }
0x10a: {  	v3 =	vadd.f32 v4, v3  }
0x10b: {  	v5 =	vld [tilespmem:s23+$0x9060]  }
0x10c: {  	v4 =	vld [tilespmem:s23+$0x4860];
	[tilespmem:s23+$0xD850] =	vst v3  }
0x10d: {  	v3 =	vld.idx.msk [tilespmem:v7+s19+$0x0], $0xffff  }
0x10e: {  	v6 =	vld.idx.msk [tilespmem:v7+s20+$0x0], $0xffff;
	_ =	sdelay $0x3  }
0x10f: {  	v7 =	vld [tilespmem:s23+$0x70]  }
0x110: {  	v3 =	vsub.f32 v3, v4;
	v4 =	vsub.f32 v6, v5;
	_ =	sdelay $0x1  }
0x111: {  	v3 =	vmul.f32 v3, v3;
	v4 =	vmul.f32 v4, v4;
	_ =	sdelay $0x1  }
0x112: {  	v3 =	vadd.f32 v4, v3  }
0x113: {  	v5 =	vld [tilespmem:s23+$0x9070]  }
0x114: {  	v4 =	vld [tilespmem:s23+$0x4870];
	[tilespmem:s23+$0xD860] =	vst v3  }
0x115: {  	v3 =	vld.idx.msk [tilespmem:v7+s19+$0x0], $0xffff  }
0x116: {  	v6 =	vld.idx.msk [tilespmem:v7+s20+$0x0], $0xffff;
	_ =	sdelay $0x3  }
0x117: {  	v7 =	vld [tilespmem:s23+$0x80]  }
0x118: {  	v3 =	vsub.f32 v3, v4;
	v4 =	vsub.f32 v6, v5;
	_ =	sdelay $0x1  }
0x119: {  	v3 =	vmul.f32 v3, v3;
	v4 =	vmul.f32 v4, v4;
	_ =	sdelay $0x1  }
0x11a: {  	v3 =	vadd.f32 v4, v3  }
0x11b: {  	v5 =	vld [tilespmem:s23+$0x9080]  }
0x11c: {  	v4 =	vld [tilespmem:s23+$0x4880];
	[tilespmem:s23+$0xD870] =	vst v3  }
0x11d: {  	v3 =	vld.idx.msk [tilespmem:v7+s19+$0x0], $0xffff  }
0x11e: {  	v6 =	vld.idx.msk [tilespmem:v7+s20+$0x0], $0xffff;
	_ =	sdelay $0x3  }
0x11f: {  	v7 =	vld [tilespmem:s23+$0x90]  }
0x120: {  	v3 =	vsub.f32 v3, v4;
	v4 =	vsub.f32 v6, v5;
	_ =	sdelay $0x1  }
0x121: {  	v3 =	vmul.f32 v3, v3;
	v4 =	vmul.f32 v4, v4;
	_ =	sdelay $0x1  }
0x122: {  	v3 =	vadd.f32 v4, v3  }
0x123: {  	v5 =	vld [tilespmem:s23+$0x9090]  }
0x124: {  	v4 =	vld [tilespmem:s23+$0x4890];
	[tilespmem:s23+$0xD880] =	vst v3  }
0x125: {  	v3 =	vld.idx.msk [tilespmem:v7+s19+$0x0], $0xffff  }
0x126: {  	v6 =	vld.idx.msk [tilespmem:v7+s20+$0x0], $0xffff;
	_ =	sdelay $0x3  }
0x127: {  	v7 =	vld [tilespmem:s23+$0xA0]  }
0x128: {  	v3 =	vsub.f32 v3, v4;
	v4 =	vsub.f32 v6, v5;
	_ =	sdelay $0x1  }
0x129: {  	v3 =	vmul.f32 v3, v3;
	v4 =	vmul.f32 v4, v4;
	_ =	sdelay $0x1  }
0x12a: {  	v3 =	vadd.f32 v4, v3  }
0x12b: {  	v5 =	vld [tilespmem:s23+$0x90A0]  }
0x12c: {  	v4 =	vld [tilespmem:s23+$0x48A0];
	[tilespmem:s23+$0xD890] =	vst v3  }
0x12d: {  	v3 =	vld.idx.msk [tilespmem:v7+s19+$0x0], $0xffff  }
0x12e: {  	v6 =	vld.idx.msk [tilespmem:v7+s20+$0x0], $0xffff;
	_ =	sdelay $0x3  }
0x12f: {  	v7 =	vld [tilespmem:s23+$0xB0]  }
0x130: {  	v3 =	vsub.f32 v3, v4;
	v4 =	vsub.f32 v6, v5;
	_ =	sdelay $0x1  }
0x131: {  	v3 =	vmul.f32 v3, v3;
	v4 =	vmul.f32 v4, v4;
	_ =	sdelay $0x1  }
0x132: {  	v3 =	vadd.f32 v4, v3  }
0x133: {  	v5 =	vld [tilespmem:s23+$0x90B0]  }
0x134: {  	v4 =	vld [tilespmem:s23+$0x48B0];
	[tilespmem:s23+$0xD8A0] =	vst v3  }
0x135: {  	v3 =	vld.idx.msk [tilespmem:v7+s19+$0x0], $0xffff  }
0x136: {  	v6 =	vld.idx.msk [tilespmem:v7+s20+$0x0], $0xffff;
	_ =	sdelay $0x3  }
0x137: {  	v7 =	vld [tilespmem:s23+$0xC0]  }
0x138: {  	v3 =	vsub.f32 v3, v4;
	v4 =	vsub.f32 v6, v5;
	_ =	sdelay $0x1  }
0x139: {  	v3 =	vmul.f32 v3, v3;
	v4 =	vmul.f32 v4, v4;
	_ =	sdelay $0x1  }
0x13a: {  	v3 =	vadd.f32 v4, v3  }
0x13b: {  	v5 =	vld [tilespmem:s23+$0x90C0]  }
0x13c: {  	v4 =	vld [tilespmem:s23+$0x48C0];
	[tilespmem:s23+$0xD8B0] =	vst v3  }
0x13d: {  	v3 =	vld.idx.msk [tilespmem:v7+s19+$0x0], $0xffff  }
0x13e: {  	v6 =	vld.idx.msk [tilespmem:v7+s20+$0x0], $0xffff;
	_ =	sdelay $0x3  }
0x13f: {  	v7 =	vld [tilespmem:s23+$0xD0]  }
0x140: {  	v3 =	vsub.f32 v3, v4;
	v4 =	vsub.f32 v6, v5;
	_ =	sdelay $0x1  }
0x141: {  	v3 =	vmul.f32 v3, v3;
	v4 =	vmul.f32 v4, v4;
	_ =	sdelay $0x1  }
0x142: {  	v3 =	vadd.f32 v4, v3  }
0x143: {  	v5 =	vld [tilespmem:s23+$0x90D0]  }
0x144: {  	v6 =	vld [tilespmem:s23+$0x48D0];
	[tilespmem:s23+$0xD8C0] =	vst v3  }
0x145: {  	v3 =	vld.idx.msk [tilespmem:v7+s19+$0x0], $0xffff  }
0x146: {  	v7 =	vld.idx.msk [tilespmem:v7+s20+$0x0], $0xffff;
	_ =	sdelay $0x3  }
0x147: {  	v8 =	vld [tilespmem:s23+$0xE0]  }
0x148: {  	v3 =	vsub.f32 v3, v6;
	v5 =	vsub.f32 v7, v5;
	_ =	sdelay $0x1  }
0x149: {  	v3 =	vmul.f32 v3, v3;
	v5 =	vmul.f32 v5, v5;
	_ =	sdelay $0x1  }
0x14a: {  	v5 =	vadd.f32 v5, v3  }
0x14b: {  	v4 =	vld [tilespmem:s23+$0x90E0]  }
0x14c: {  	v6 =	vld [tilespmem:s23+$0x48E0];
	[tilespmem:s23+$0xD8D0] =	vst v5  }
0x14d: {  	v5 =	vld.idx.msk [tilespmem:v8+s19+$0x0], $0xffff  }
0x14e: {  	v7 =	vld.idx.msk [tilespmem:v8+s20+$0x0], $0xffff;
	_ =	sdelay $0x3  }
0x14f: {  	v6 =	vsub.f32 v5, v6;
	v5 =	vld [tilespmem:s23+$0xF0]  }
0x150: {  	v7 =	vsub.f32 v7, v4  }
0x151: {  	v3 =	vld [tilespmem:s23+$0x90F0]  }
0x152: {  	s24 =	simm.s32 $0x400;
	v4 =	vld [tilespmem:s23+$0x48F0];
	v6 =	vmul.f32 v6, v6;
	v7 =	vmul.f32 v7, v7  }
.LBB2_4:
0x153: {  	_ = 	snop  }
0x154: {  	p0 =	sne.s32 s24, $0x11C00;
	s25 =	smov.u32 s24;
	s24 =	sadd.s32 $0x400, s24;
	v6 =	vadd.f32 v7, v6  }
0x155: {  	_ = 	snop  }
0x156: {  	[tilespmem:s23+$0xD8E0] =	vst v6  }
0x157: {  	v6 =	vld.idx.msk [tilespmem:v5+s19+$0x0], $0xffff  }
0x158: {  	v5 =	vld.idx.msk [tilespmem:v5+s20+$0x0], $0xffff;
	_ =	sdelay $0x3  }
0x159: {  	s25 =	sshra.s32 s25, $0x2  }
0x15a: {  	v4 =	vsub.f32 v6, v4;
	v7 =	vld [tilespmem:s25+$0x0]  }
0x15b: {  	v3 =	vsub.f32 v5, v3  }
0x15c: {  	v4 =	vmul.f32 v4, v4  }
0x15d: {  	v3 =	vmul.f32 v3, v3;
	_ =	sdelay $0x1  }
0x15e: {  	v3 =	vadd.f32 v3, v4  }
0x15f: {  	v4 =	vld [tilespmem:s25+$0x9000]  }
0x160: {  	v5 =	vld [tilespmem:s25+$0x4800];
	[tilespmem:s23+$0xD8F0] =	vst v3;
	s23 =	smov.u32 s25  }
0x161: {  	v3 =	vld.idx.msk [tilespmem:v7+s19+$0x0], $0xffff  }
0x162: {  	v6 =	vld.idx.msk [tilespmem:v7+s20+$0x0], $0xffff;
	_ =	sdelay $0x4  }
0x163: {  	v3 =	vsub.f32 v3, v5;
	v5 =	vld [tilespmem:s23+$0x10]  }
0x164: {  	v4 =	vsub.f32 v6, v4  }
0x165: {  	v3 =	vmul.f32 v3, v3  }
0x166: {  	v4 =	vmul.f32 v4, v4;
	_ =	sdelay $0x1  }
0x167: {  	v3 =	vadd.f32 v4, v3  }
0x168: {  	v4 =	vld [tilespmem:s23+$0x9010]  }
0x169: {  	[tilespmem:s23+$0xD800] =	vst v3;
	v3 =	vld [tilespmem:s23+$0x4810]  }
0x16a: {  	v6 =	vld.idx.msk [tilespmem:v5+s19+$0x0], $0xffff  }
0x16b: {  	v5 =	vld.idx.msk [tilespmem:v5+s20+$0x0], $0xffff;
	_ =	sdelay $0x4  }
0x16c: {  	v3 =	vsub.f32 v6, v3;
	v6 =	vld [tilespmem:s23+$0x20]  }
0x16d: {  	v4 =	vsub.f32 v5, v4  }
0x16e: {  	v3 =	vmul.f32 v3, v3  }
0x16f: {  	v4 =	vmul.f32 v4, v4;
	_ =	sdelay $0x1  }
0x170: {  	v3 =	vadd.f32 v4, v3  }
0x171: {  	v4 =	vld [tilespmem:s23+$0x9020]  }
0x172: {  	[tilespmem:s23+$0xD810] =	vst v3;
	v3 =	vld [tilespmem:s23+$0x4820]  }
0x173: {  	v5 =	vld.idx.msk [tilespmem:v6+s19+$0x0], $0xffff  }
0x174: {  	v6 =	vld.idx.msk [tilespmem:v6+s20+$0x0], $0xffff;
	_ =	sdelay $0x4  }
0x175: {  	v3 =	vsub.f32 v5, v3;
	v5 =	vld [tilespmem:s23+$0x30]  }
0x176: {  	v4 =	vsub.f32 v6, v4  }
0x177: {  	v3 =	vmul.f32 v3, v3  }
0x178: {  	v4 =	vmul.f32 v4, v4;
	_ =	sdelay $0x1  }
0x179: {  	v3 =	vadd.f32 v4, v3;
	v4 =	vld [tilespmem:s23+$0x9030]  }
0x17a: {  	v6 =	vld [tilespmem:s23+$0x4830]  }
0x17b: {  	[tilespmem:s23+$0xD820] =	vst v3  }
0x17c: {  	v3 =	vld.idx.msk [tilespmem:v5+s19+$0x0], $0xffff  }
0x17d: {  	v5 =	vld.idx.msk [tilespmem:v5+s20+$0x0], $0xffff;
	_ =	sdelay $0x4  }
0x17e: {  	v3 =	vsub.f32 v3, v6;
	v6 =	vld [tilespmem:s23+$0x40]  }
0x17f: {  	v4 =	vsub.f32 v5, v4  }
0x180: {  	v3 =	vmul.f32 v3, v3  }
0x181: {  	v4 =	vmul.f32 v4, v4  }
0x182: {  	v5 =	vld [tilespmem:s23+$0x9040]  }
0x183: {  	v3 =	vadd.f32 v4, v3;
	v4 =	vld [tilespmem:s23+$0x4840];
	_ =	sdelay $0x1  }
0x184: {  	[tilespmem:s23+$0xD830] =	vst v3  }
0x185: {  	v3 =	vld.idx.msk [tilespmem:v6+s19+$0x0], $0xffff  }
0x186: {  	v6 =	vld.idx.msk [tilespmem:v6+s20+$0x0], $0xffff;
	_ =	sdelay $0x4  }
0x187: {  	v3 =	vsub.f32 v3, v4;
	v4 =	vld [tilespmem:s23+$0x50]  }
0x188: {  	v5 =	vsub.f32 v6, v5  }
0x189: {  	v3 =	vmul.f32 v3, v3  }
0x18a: {  	v5 =	vmul.f32 v5, v5;
	v6 =	vld [tilespmem:s23+$0x9050]  }
0x18b: {  	v7 =	vld [tilespmem:s23+$0x4850]  }
0x18c: {  	v3 =	vadd.f32 v5, v3;
	_ =	sdelay $0x1  }
0x18d: {  	[tilespmem:s23+$0xD840] =	vst v3  }
0x18e: {  	v3 =	vld.idx.msk [tilespmem:v4+s19+$0x0], $0xffff  }
0x18f: {  	v4 =	vld.idx.msk [tilespmem:v4+s20+$0x0], $0xffff;
	_ =	sdelay $0x4  }
0x190: {  	v3 =	vsub.f32 v3, v7;
	v5 =	vld [tilespmem:s23+$0x60]  }
0x191: {  	v4 =	vsub.f32 v4, v6  }
0x192: {  	v3 =	vmul.f32 v3, v3;
	v6 =	vld [tilespmem:s23+$0x9060]  }
0x193: {  	v4 =	vmul.f32 v4, v4;
	v7 =	vld [tilespmem:s23+$0x4860];
	_ =	sdelay $0x1  }
0x194: {  	v3 =	vadd.f32 v4, v3;
	_ =	sdelay $0x1  }
0x195: {  	[tilespmem:s23+$0xD850] =	vst v3  }
0x196: {  	v3 =	vld.idx.msk [tilespmem:v5+s19+$0x0], $0xffff  }
0x197: {  	v4 =	vld.idx.msk [tilespmem:v5+s20+$0x0], $0xffff;
	_ =	sdelay $0x4  }
0x198: {  	v3 =	vsub.f32 v3, v7;
	v5 =	vld [tilespmem:s23+$0x70]  }
0x199: {  	v4 =	vsub.f32 v4, v6;
	v6 =	vld [tilespmem:s23+$0x9070]  }
0x19a: {  	v3 =	vmul.f32 v3, v3;
	v7 =	vld [tilespmem:s23+$0x4870]  }
0x19b: {  	v4 =	vmul.f32 v4, v4;
	_ =	sdelay $0x1  }
0x19c: {  	v3 =	vadd.f32 v4, v3;
	_ =	sdelay $0x1  }
0x19d: {  	[tilespmem:s23+$0xD860] =	vst v3  }
0x19e: {  	v3 =	vld.idx.msk [tilespmem:v5+s19+$0x0], $0xffff  }
0x19f: {  	v4 =	vld.idx.msk [tilespmem:v5+s20+$0x0], $0xffff;
	_ =	sdelay $0x3  }
0x1a0: {  	v5 =	vld [tilespmem:s23+$0x9080]  }
0x1a1: {  	v3 =	vsub.f32 v3, v7;
	v7 =	vld [tilespmem:s23+$0x80]  }
0x1a2: {  	v4 =	vsub.f32 v4, v6;
	v6 =	vld [tilespmem:s23+$0x4880]  }
0x1a3: {  	v3 =	vmul.f32 v3, v3  }
0x1a4: {  	v4 =	vmul.f32 v4, v4;
	_ =	sdelay $0x1  }
0x1a5: {  	v3 =	vadd.f32 v4, v3;
	_ =	sdelay $0x1  }
0x1a6: {  	[tilespmem:s23+$0xD870] =	vst v3  }
0x1a7: {  	v3 =	vld.idx.msk [tilespmem:v7+s19+$0x0], $0xffff  }
0x1a8: {  	v4 =	vld.idx.msk [tilespmem:v7+s20+$0x0], $0xffff;
	_ =	sdelay $0x2  }
0x1a9: {  	v7 =	vld [tilespmem:s23+$0x9090]  }
0x1aa: {  	v8 =	vld [tilespmem:s23+$0x4890]  }
0x1ab: {  	v3 =	vsub.f32 v3, v6;
	v6 =	vld [tilespmem:s23+$0x90]  }
0x1ac: {  	v4 =	vsub.f32 v4, v5  }
0x1ad: {  	v3 =	vmul.f32 v3, v3  }
0x1ae: {  	v4 =	vmul.f32 v4, v4;
	_ =	sdelay $0x1  }
0x1af: {  	v3 =	vadd.f32 v4, v3;
	_ =	sdelay $0x1  }
0x1b0: {  	[tilespmem:s23+$0xD880] =	vst v3  }
0x1b1: {  	v3 =	vld.idx.msk [tilespmem:v6+s19+$0x0], $0xffff  }
0x1b2: {  	v4 =	vld.idx.msk [tilespmem:v6+s20+$0x0], $0xffff;
	_ =	sdelay $0x2  }
0x1b3: {  	v5 =	vld [tilespmem:s23+$0x90A0]  }
0x1b4: {  	v6 =	vld [tilespmem:s23+$0x48A0]  }
0x1b5: {  	v3 =	vsub.f32 v3, v8;
	v8 =	vld [tilespmem:s23+$0xA0]  }
0x1b6: {  	v4 =	vsub.f32 v4, v7  }
0x1b7: {  	v3 =	vmul.f32 v3, v3  }
0x1b8: {  	v4 =	vmul.f32 v4, v4;
	_ =	sdelay $0x1  }
0x1b9: {  	v3 =	vadd.f32 v4, v3;
	_ =	sdelay $0x1  }
0x1ba: {  	[tilespmem:s23+$0xD890] =	vst v3  }
0x1bb: {  	v3 =	vld.idx.msk [tilespmem:v8+s19+$0x0], $0xffff  }
0x1bc: {  	v4 =	vld.idx.msk [tilespmem:v8+s20+$0x0], $0xffff;
	_ =	sdelay $0x1  }
0x1bd: {  	v7 =	vld [tilespmem:s23+$0x90B0]  }
0x1be: {  	v8 =	vld [tilespmem:s23+$0x48B0];
	_ =	sdelay $0x1  }
0x1bf: {  	v3 =	vsub.f32 v3, v6;
	v6 =	vld [tilespmem:s23+$0xB0]  }
0x1c0: {  	v4 =	vsub.f32 v4, v5  }
0x1c1: {  	v3 =	vmul.f32 v3, v3  }
0x1c2: {  	v4 =	vmul.f32 v4, v4;
	_ =	sdelay $0x1  }
0x1c3: {  	v3 =	vadd.f32 v4, v3;
	_ =	sdelay $0x1  }
0x1c4: {  	[tilespmem:s23+$0xD8A0] =	vst v3  }
0x1c5: {  	v3 =	vld.idx.msk [tilespmem:v6+s19+$0x0], $0xffff  }
0x1c6: {  	v4 =	vld.idx.msk [tilespmem:v6+s20+$0x0], $0xffff  }
0x1c7: {  	v5 =	vld [tilespmem:s23+$0x90C0]  }
0x1c8: {  	v6 =	vld [tilespmem:s23+$0x48C0];
	_ =	sdelay $0x2  }
0x1c9: {  	v3 =	vsub.f32 v3, v8;
	v8 =	vld [tilespmem:s23+$0xC0]  }
0x1ca: {  	v4 =	vsub.f32 v4, v7  }
0x1cb: {  	v3 =	vmul.f32 v3, v3  }
0x1cc: {  	v4 =	vmul.f32 v4, v4;
	_ =	sdelay $0x1  }
0x1cd: {  	v3 =	vadd.f32 v4, v3;
	_ =	sdelay $0x1  }
0x1ce: {  	[tilespmem:s23+$0xD8B0] =	vst v3;
	v3 =	vld [tilespmem:s23+$0x90D0]  }
0x1cf: {  	v4 =	vld.idx.msk [tilespmem:v8+s19+$0x0], $0xffff  }
0x1d0: {  	v7 =	vld.idx.msk [tilespmem:v8+s20+$0x0], $0xffff  }
0x1d1: {  	v8 =	vld [tilespmem:s23+$0x48D0];
	_ =	sdelay $0x3  }
0x1d2: {  	v4 =	vsub.f32 v4, v6;
	v6 =	vld [tilespmem:s23+$0xD0]  }
0x1d3: {  	v5 =	vsub.f32 v7, v5  }
0x1d4: {  	v4 =	vmul.f32 v4, v4  }
0x1d5: {  	v5 =	vmul.f32 v5, v5;
	_ =	sdelay $0x1  }
0x1d6: {  	v4 =	vadd.f32 v5, v4  }
0x1d7: {  	v7 =	vld [tilespmem:s23+$0x90E0]  }
0x1d8: {  	[tilespmem:s23+$0xD8C0] =	vst v4;
	v5 =	vld [tilespmem:s23+$0x48E0]  }
0x1d9: {  	v4 =	vld.idx.msk [tilespmem:v6+s19+$0x0], $0xffff  }
0x1da: {  	v6 =	vld.idx.msk [tilespmem:v6+s20+$0x0], $0xffff;
	_ =	sdelay $0x4  }
0x1db: {  	v4 =	vsub.f32 v4, v8;
	v8 =	vld [tilespmem:s23+$0xE0]  }
0x1dc: {  	v3 =	vsub.f32 v6, v3  }
0x1dd: {  	v4 =	vmul.f32 v4, v4  }
0x1de: {  	v3 =	vmul.f32 v3, v3;
	_ =	sdelay $0x1  }
0x1df: {  	v4 =	vadd.f32 v3, v4  }
0x1e0: {  	v3 =	vld [tilespmem:s23+$0x90F0]  }
0x1e1: {  	[tilespmem:s23+$0xD8D0] =	vst v4;
	v4 =	vld [tilespmem:s23+$0x48F0]  }
0x1e2: {  	v6 =	vld.idx.msk [tilespmem:v8+s19+$0x0], $0xffff  }
0x1e3: {  	v8 =	vld.idx.msk [tilespmem:v8+s20+$0x0], $0xffff;
	_ =	sdelay $0x3  }
.Ltmp1:
0x1e4: {  	(pc) =	sbr.rel @p0 .LBB2_4-.Ltmp1, $4  }
0x1e5: {  	v6 =	vsub.f32 v6, v5;
	v5 =	vld [tilespmem:s23+$0xF0]  }
0x1e6: {  	v7 =	vsub.f32 v8, v7  }
0x1e7: {  	v6 =	vmul.f32 v6, v6  }
0x1e8: {  	v7 =	vmul.f32 v7, v7  }
0x1e9: {  	_ =	sdelay $0x1  }
0x1ea: {  	v6 =	vadd.f32 v7, v6;
	_ =	sdelay $0x1  }
0x1eb: {  	[tilespmem:s23+$0xD8E0] =	vst v6  }
0x1ec: {  	v6 =	vld.idx.msk [tilespmem:v5+s19+$0x0], $0xffff  }
0x1ed: {  	v63 =	vld.idx.msk [tilespmem:v5+s20+$0x0], $0xffff;
	_ =	sdelay $0x4  }
0x1ee: {  	v4 =	vsub.f32 v6, v4;
	v3 =	vsub.f32 v63, v3;
	_ =	sdelay $0x1  }
0x1ef: {  	v4 =	vmul.f32 v4, v4;
	v3 =	vmul.f32 v3, v3;
	_ =	sdelay $0x1  }
0x1f0: {  	s22 =	sadd.s32 $0x1, s22;
	v3 =	vadd.f32 v3, v4  }
0x1f1: {  	p0 =	sne.s32 s22, s9  }
.Ltmp2:
0x1f2: {  	[tilespmem:s23+$0xD8F0] =	vst v3;
	(pc) =	sbr.rel @p0 .LBB2_1-.Ltmp2, $4  }
0x1f3: {  	[hbm4b:s8+s2] =	stream.linear.scatter [tilespmem:s21], [sflag:$0x2], $0x4800, $0x38;
	[tilespmem:$0x12C00] =	vst v63  }
0x1f4: {  	_ =	swait.ge [sflag:s17], $0x4800  }
0x1f5: {  	[sflag:s17] =	ssyncset.done $0x0  }
0x1f6: {  	[sflag:s17] =	ssyncadd.s32 $0xFFFFB800  }
0x1f7: {  	_ =	sfence.sel $0x180000  }
0x1f8: {  	[bflag:$0x0] =	sbarrier.arrive $0xFFFF  }
0x1f9: {  	p0 =	sne.s32 s0, $0x0;
	_ =	strace $0x90000047  }
0x1fa: {  	s0 =	sadd.s32 @!p0 $0x100000, s1;
	[bflag:$0x2] =	sbarrier.arrive $0xFFFF  }
0x1fb: {  	[sflag:s0] =	ssyncadd.tile.s32 @!p0 $0x1;
	_ =	shalt  }
.Lfunc_end2:
_tile_overlayer_lowered:
.L_overlay_start_2:
0x1fc: {  	(tag) =	ssettag $0x2  }
0x1fd: {  	s0 =	rddreg [dreg:$0x0];
	s2 =	stileid.u32  }
0x1fe: {  	s1 =	rddreg [dreg:$0x1];
	p0 =	sne.s32 s2, $0x0  }
0x1ff: {  	s3 =	rddreg [dreg:$0x2];
	[bflag:$0x3] =	sbarrier.arrive $0xFFFF;
	s2 =	simm.s32 @!p0 $0x1C02  }
0x200: {  	[timem:s3], [sflag:s2] =	dma.local @!p0 [hbm:s0], s1  }
0x201: {  	s0 =	simm.s32 @!p0 $0x2  }
0x202: {  	_ =	swait.ge @!p0 [sflag:s0], s1  }
0x203: {  	s1 =	ssub.s32 @!p0 $0x0, s1;
	[sflag:s0] =	ssyncset.done @!p0 $0x0  }
0x204: {  	[sflag:s0] =	ssyncadd.s32 @!p0 s1  }
0x205: {  	[bflag:$0x3] =	sbarrier.arrive $0xFFFF  }
0x206: {  	_ =	shalt  }

</sc_bundles>
